<compile_context>
chip_gen: v7x
topology: tpu7x:2x2x1
jax: 0.10.2.dev20260603
libtpu: 0.0.44.dev20260713+nightly
codegen_flags: <defaults>
</compile_context>

<pallas_src>
import jax
import jax.numpy as jnp
from jax.experimental import pallas as pl
from jax.experimental.pallas import tpu as pltpu

_N = 100
_IN = 128
_OUT = 128
_E = 16
_B_BLK = 128


def _combine_kernel(gw_ref, experts_ref, biases_ref, cw_ref, cb_ref):
    g = jax.nn.softmax(gw_ref[...], axis=-1)
    cw_ref[...] = jnp.dot(g, experts_ref[...], preferred_element_type=jnp.float32)
    cb_ref[...] = jnp.dot(g, biases_ref[...], preferred_element_type=jnp.float32)


def _apply_kernel(x_ref, cw_ref, cb_ref, out_ref):
    for n in range(_N):
        xn = x_ref[:, n * _IN : (n + 1) * _IN]
        wn = cw_ref[n]
        yn = jnp.dot(xn, wn, preferred_element_type=jnp.float32)
        out_ref[:, n * _OUT : (n + 1) * _OUT] = yn + cb_ref[:, n * _OUT : (n + 1) * _OUT]


def kernel(x, gate_weights, experts, expert_biases):
    batch = x.shape[0]
    experts2 = experts.reshape(_E, _IN * _OUT)

    cw2, cb = pl.pallas_call(
        _combine_kernel,
        out_shape=(
            jax.ShapeDtypeStruct((_N, _IN * _OUT), jnp.float32),
            jax.ShapeDtypeStruct((_N, _OUT), jnp.float32),
        ),
    )(gate_weights, experts2, expert_biases)
    cw = cw2.reshape(_N, _IN, _OUT)
    cb2 = cb.reshape(1, _N * _OUT)
    x2 = x.reshape(batch, _N * _IN)

    grid = (batch // _B_BLK,)
    out2 = pl.pallas_call(
        _apply_kernel,
        grid=grid,
        in_specs=[
            pl.BlockSpec((_B_BLK, _N * _IN), lambda i: (i, 0)),
            pl.BlockSpec((_N, _IN, _OUT), lambda i: (0, 0, 0)),
            pl.BlockSpec((1, _N * _OUT), lambda i: (0, 0)),
        ],
        out_specs=pl.BlockSpec((_B_BLK, _N * _OUT), lambda i: (i, 0)),
        out_shape=jax.ShapeDtypeStruct((batch, _N * _OUT), jnp.float32),
        compiler_params=pltpu.CompilerParams(
            dimension_semantics=("arbitrary",),
        ),
    )(x2, cw, cb2)
    return out2.reshape(batch, _N, _OUT)

# --- scband reference (transcript-rebuilt; emitter-appended) ---
"""Pipeline reference for scband-he-emb-1786706395652 (READ-ONLY COPY).

The authoritative reference and input builder live on the scoring server;
editing this copy changes nothing except your own understanding.
"""

import jax, jax.numpy as jnp
import numpy as np

N = 100
IN_DIM = 128
OUT_DIM = 128
E = 16
BATCH = 4096

def setup_inputs(seed: int = 0) -> dict:
    key = jax.random.key(seed)
    k1, k2, k3, k4 = jax.random.split(key, 4)
    x = jax.random.normal(k1, (BATCH, N, IN_DIM), dtype=jnp.float32)
    # learned router: gate_weights ~ N(0, 0.01) since use_softmax=True
    gate_weights = jax.random.normal(k2, (N, E), dtype=jnp.float32) * 0.01
    # experts ~ N(0, 0.01)
    experts = jax.random.normal(k3, (E, IN_DIM, OUT_DIM), dtype=jnp.float32) * 0.01
    # grouped_bias=True -> expert_biases init zeros; use small random to make grads nontrivial
    expert_biases = jnp.zeros((E, OUT_DIM), dtype=jnp.float32)
    return {"x": x, "gate_weights": gate_weights, "experts": experts, "expert_biases": expert_biases}

def reference(x, gate_weights, experts, expert_biases):
    # MoEEmb with learned per-channel router and softmax gating (dense mixture of experts).
    # gates: [n, E]
    gates = jax.nn.softmax(gate_weights, axis=-1)
    # per-channel combined weight: [n, input_dim, output_dim]
    combined_w = jnp.einsum('ne,eio->nio', gates, experts)
    # per-channel combined bias (grouped_bias): [n, output_dim]
    combined_b = jnp.einsum('ne,eo->no', gates, expert_biases)
    # per-channel projection: [batch, n, output_dim]
    out = jnp.einsum('bni,nio->bno', x, combined_w) + combined_b[None, :, :]
    return out

if __name__ == "__main__":
    import jax
    _d = setup_inputs()
    print(jax.jit(kernel)(*tuple(_d.values())))

</pallas_src>

<mosaic_0001>
module attributes {stable_mosaic.version = 14 : i64} {
  func.func @_combine_kernel(%arg0: memref<100x16xf32, #tpu.memory_space<vmem>>, %arg1: memref<16x16384xf32, #tpu.memory_space<vmem>>, %arg2: memref<16x128xf32, #tpu.memory_space<vmem>>, %arg3: memref<100x16384xf32, #tpu.memory_space<vmem>>, %arg4: memref<100x128xf32, #tpu.memory_space<vmem>>) attributes {dimension_semantics = [], scalar_prefetch = 0 : i64, scratch_operands = 0 : i64, tpu.core_type = #tpu.core_type<tc>} {
    %get3A = arith.constant 0 : index
    %get3A_0 = arith.constant 0 : index
    %get3A_1 = vector.load %arg0[%get3A, %get3A_0] : memref<100x16xf32, #tpu.memory_space<vmem>>, vector<100x16xf32>
    %reduce_max3A = arith.constant dense<0xFF800000> : vector<100xf32>
    %reduce_max3A_2 = vector.multi_reduction <maximumf>, %get3A_1, %reduce_max3A [1] : vector<100x16xf32> to vector<100xf32>
    %max3A = arith.constant 0xFF800000 : f32
    %max3A_3 = vector.broadcast %max3A : f32 to vector<100xf32>
    %max3A_4 = arith.maximumf %max3A_3, %reduce_max3A_2 : vector<100xf32>
    %broadcast_in_dim3A = vector.shape_cast %max3A_4 : vector<100xf32> to vector<100x1xf32>
    %sub3A = vector.broadcast %broadcast_in_dim3A : vector<100x1xf32> to vector<100x16xf32>
    %sub3A_5 = arith.subf %get3A_1, %sub3A : vector<100x16xf32>
    %exp3A = math.exp %sub3A_5 : vector<100x16xf32>
    %reduce_sum3A = arith.constant dense<0.000000e+00> : vector<100xf32>
    %reduce_sum3A_6 = vector.multi_reduction <add>, %exp3A, %reduce_sum3A [1] : vector<100x16xf32> to vector<100xf32>
    %broadcast_in_dim3A_7 = vector.shape_cast %reduce_sum3A_6 : vector<100xf32> to vector<100x1xf32>
    %div3A = vector.broadcast %broadcast_in_dim3A_7 : vector<100x1xf32> to vector<100x16xf32>
    %div3A_8 = arith.divf %exp3A, %div3A : vector<100x16xf32>
    %get3A_9 = arith.constant 0 : index
    %get3A_10 = arith.constant 0 : index
    %get3A_11 = vector.load %arg1[%get3A_9, %get3A_10] : memref<16x16384xf32, #tpu.memory_space<vmem>>, vector<16x16384xf32>
    %dot_general3A = arith.constant dense<0.000000e+00> : vector<100x16384xf32>
    %dot_general3A_12 = tpu.matmul %div3A_8, %get3A_11, %dot_general3A {dimension_numbers = #tpu.dot_dimension_numbers<[1], [0], [0], [1], [0, 0, 1, 1], [], []>, transpose_lhs_hint = false} : vector<100x16xf32>, vector<16x16384xf32>, vector<100x16384xf32> -> vector<100x16384xf32>
    %swap3A = arith.constant 0 : index
    %swap3A_13 = arith.constant 0 : index
    %swap3A_14 = vector.load %arg3[%swap3A, %swap3A_13] : memref<100x16384xf32, #tpu.memory_space<vmem>>, vector<100x16384xf32>
    tpu.vector_store %arg3[%swap3A, %swap3A_13], %dot_general3A_12 {strides = array<i32>} : memref<100x16384xf32, #tpu.memory_space<vmem>>, vector<100x16384xf32>,
    %get3A_15 = arith.constant 0 : index
    %get3A_16 = arith.constant 0 : index
    %get3A_17 = vector.load %arg2[%get3A_15, %get3A_16] : memref<16x128xf32, #tpu.memory_space<vmem>>, vector<16x128xf32>
    %dot_general3A_18 = arith.constant dense<0.000000e+00> : vector<100x128xf32>
    %dot_general3A_19 = tpu.matmul %div3A_8, %get3A_17, %dot_general3A_18 {dimension_numbers = #tpu.dot_dimension_numbers<[1], [0], [0], [1], [0, 0, 1, 1], [], []>, transpose_lhs_hint = false} : vector<100x16xf32>, vector<16x128xf32>, vector<100x128xf32> -> vector<100x128xf32>
    %swap3A_20 = arith.constant 0 : index
    %swap3A_21 = arith.constant 0 : index
    %swap3A_22 = vector.load %arg4[%swap3A_20, %swap3A_21] : memref<100x128xf32, #tpu.memory_space<vmem>>, vector<100x128xf32>
    tpu.vector_store %arg4[%swap3A_20, %swap3A_21], %dot_general3A_19 {strides = array<i32>} : memref<100x128xf32, #tpu.memory_space<vmem>>, vector<100x128xf32>,
    return
  }
}

module attributes {stable_mosaic.version = 14 : i64} {
  func.func @_apply_kernel(%arg0: i32, %arg1: memref<128x12800xf32, #tpu.memory_space<vmem>>, %arg2: memref<100x128x128xf32, #tpu.memory_space<vmem>>, %arg3: memref<1x12800xf32, #tpu.memory_space<vmem>>, %arg4: memref<128x12800xf32, #tpu.memory_space<vmem>>) attributes {dimension_semantics = [#tpu.dimension_semantics<arbitrary>], iteration_bounds = array<i64: 32>, scalar_prefetch = 0 : i64, scratch_operands = 0 : i64, tpu.core_type = #tpu.core_type<tc>, window_params = [{transform_indices = @transform_0, window_bounds = array<i64: 128, 12800>}, {pipeline_mode = #tpu.pipeline_mode<synchronous>, transform_indices = @transform_1, window_bounds = array<i64: 100, 128, 128>}, {pipeline_mode = #tpu.pipeline_mode<synchronous>, transform_indices = @transform_2, window_bounds = array<i64: 1, 12800>}, {transform_indices = @transform_3, window_bounds = array<i64: 128, 12800>}]} {
    %get3A = arith.constant 0 : index
    %get3A_0 = arith.constant 0 : index
    %get3A_1 = vector.load %arg1[%get3A, %get3A_0] : memref<128x12800xf32, #tpu.memory_space<vmem>>, vector<128x128xf32>
    %get3A_2 = arith.constant 0 : index
    %get3A_3 = arith.constant 0 : index
    %get3A_4 = arith.constant 0 : index
    %get3A_5 = vector.load %arg2[%get3A_2, %get3A_3, %get3A_4] : memref<100x128x128xf32, #tpu.memory_space<vmem>>, vector<1x128x128xf32>
    %get3A_6 = vector.shape_cast %get3A_5 : vector<1x128x128xf32> to vector<128x128xf32>
    %dot_general3A = arith.constant dense<0.000000e+00> : vector<128x128xf32>
    %dot_general3A_7 = tpu.matmul %get3A_1, %get3A_6, %dot_general3A {dimension_numbers = #tpu.dot_dimension_numbers<[1], [0], [0], [1], [0, 0, 1, 1], [], []>, transpose_lhs_hint = false} : vector<128x128xf32>, vector<128x128xf32>, vector<128x128xf32> -> vector<128x128xf32>
    %get3A_8 = arith.constant 0 : index
    %get3A_9 = arith.constant 0 : index
    %get3A_10 = vector.load %arg3[%get3A_8, %get3A_9] : memref<1x12800xf32, #tpu.memory_space<vmem>>, vector<1x128xf32>
    %add3A = vector.broadcast %get3A_10 : vector<1x128xf32> to vector<128x128xf32>
    %add3A_11 = arith.addf %dot_general3A_7, %add3A : vector<128x128xf32>
    %swap3A = arith.constant 0 : index
    %swap3A_12 = arith.constant 0 : index
    %swap3A_13 = vector.load %arg4[%swap3A, %swap3A_12] : memref<128x12800xf32, #tpu.memory_space<vmem>>, vector<128x128xf32>
    tpu.vector_store %arg4[%swap3A, %swap3A_12], %add3A_11 {strides = array<i32>} : memref<128x12800xf32, #tpu.memory_space<vmem>>, vector<128x128xf32>,
    %get3A_14 = arith.constant 0 : index
    %get3A_15 = arith.constant 128 : index
    %get3A_16 = vector.load %arg1[%get3A_14, %get3A_15] : memref<128x12800xf32, #tpu.memory_space<vmem>>, vector<128x128xf32>
    %get3A_17 = arith.constant 1 : index
    %get3A_18 = arith.constant 0 : index
    %get3A_19 = arith.constant 0 : index
    %get3A_20 = vector.load %arg2[%get3A_17, %get3A_18, %get3A_19] : memref<100x128x128xf32, #tpu.memory_space<vmem>>, vector<1x128x128xf32>
    %get3A_21 = vector.shape_cast %get3A_20 : vector<1x128x128xf32> to vector<128x128xf32>
    %dot_general3A_22 = arith.constant dense<0.000000e+00> : vector<128x128xf32>
    %dot_general3A_23 = tpu.matmul %get3A_16, %get3A_21, %dot_general3A_22 {dimension_numbers = #tpu.dot_dimension_numbers<[1], [0], [0], [1], [0, 0, 1, 1], [], []>, transpose_lhs_hint = false} : vector<128x128xf32>, vector<128x128xf32>, vector<128x128xf32> -> vector<128x128xf32>
    %get3A_24 = arith.constant 0 : index
    %get3A_25 = arith.constant 128 : index
    %get3A_26 = vector.load %arg3[%get3A_24, %get3A_25] : memref<1x12800xf32, #tpu.memory_space<vmem>>, vector<1x128xf32>
    %add3A_27 = vector.broadcast %get3A_26 : vector<1x128xf32> to vector<128x128xf32>
    %add3A_28 = arith.addf %dot_general3A_23, %add3A_27 : vector<128x128xf32>
    %swap3A_29 = arith.constant 0 : index
    %swap3A_30 = arith.constant 128 : index
    %swap3A_31 = vector.load %arg4[%swap3A_29, %swap3A_30] : memref<128x12800xf32, #tpu.memory_space<vmem>>, vector<128x128xf32>
    tpu.vector_store %arg4[%swap3A_29, %swap3A_30], %add3A_28 {strides = array<i32>} : memref<128x12800xf32, #tpu.memory_space<vmem>>, vector<128x128xf32>,
    %get3A_32 = arith.constant 0 : index
    %get3A_33 = arith.constant 256 : index
    %get3A_34 = vector.load %arg1[%get3A_32, %get3A_33] : memref<128x12800xf32, #tpu.memory_space<vmem>>, vector<128x128xf32>
    %get3A_35 = arith.constant 2 : index
    %get3A_36 = arith.constant 0 : index
    %get3A_37 = arith.constant 0 : index
    %get3A_38 = vector.load %arg2[%get3A_35, %get3A_36, %get3A_37] : memref<100x128x128xf32, #tpu.memory_space<vmem>>, vector<1x128x128xf32>
    %get3A_39 = vector.shape_cast %get3A_38 : vector<1x128x128xf32> to vector<128x128xf32>
    %dot_general3A_40 = arith.constant dense<0.000000e+00> : vector<128x128xf32>
    %dot_general3A_41 = tpu.matmul %get3A_34, %get3A_39, %dot_general3A_40 {dimension_numbers = #tpu.dot_dimension_numbers<[1], [0], [0], [1], [0, 0, 1, 1], [], []>, transpose_lhs_hint = false} : vector<128x128xf32>, vector<128x128xf32>, vector<128x128xf32> -> vector<128x128xf32>
    %get3A_42 = arith.constant 0 : index
    %get3A_43 = arith.constant 256 : index
    %get3A_44 = vector.load %arg3[%get3A_42, %get3A_43] : memref<1x12800xf32, #tpu.memory_space<vmem>>, vector<1x128xf32>
    %add3A_45 = vector.broadcast %get3A_44 : vector<1x128xf32> to vector<128x128xf32>
    %add3A_46 = arith.addf %dot_general3A_41, %add3A_45 : vector<128x128xf32>
    %swap3A_47 = arith.constant 0 : index
    %swap3A_48 = arith.constant 256 : index
    %swap3A_49 = vector.load %arg4[%swap3A_47, %swap3A_48] : memref<128x12800xf32, #tpu.memory_space<vmem>>, vector<128x128xf32>
    tpu.vector_store %arg4[%swap3A_47, %swap3A_48], %add3A_46 {strides = array<i32>} : memref<128x12800xf32, #tpu.memory_space<vmem>>, vector<128x128xf32>,
    %get3A_50 = arith.constant 0 : index
    %get3A_51 = arith.constant 384 : index
    %get3A_52 = vector.load %arg1[%get3A_50, %get3A_51] : memref<128x12800xf32, #tpu.memory_space<vmem>>, vector<128x128xf32>
    %get3A_53 = arith.constant 3 : index
    %get3A_54 = arith.constant 0 : index
    %get3A_55 = arith.constant 0 : index
    %get3A_56 = vector.load %arg2[%get3A_53, %get3A_54, %get3A_55] : memref<100x128x128xf32, #tpu.memory_space<vmem>>, vector<1x128x128xf32>
    %get3A_57 = vector.shape_cast %get3A_56 : vector<1x128x128xf32> to vector<128x128xf32>
    %dot_general3A_58 = arith.constant dense<0.000000e+00> : vector<128x128xf32>
    %dot_general3A_59 = tpu.matmul %get3A_52, %get3A_57, %dot_general3A_58 {dimension_numbers = #tpu.dot_dimension_numbers<[1], [0], [0], [1], [0, 0, 1, 1], [], []>, transpose_lhs_hint = false} : vector<128x128xf32>, vector<128x128xf32>, vector<128x128xf32> -> vector<128x128xf32>
    %get3A_60 = arith.constant 0 : index
    %get3A_61 = arith.constant 384 : index
    %get3A_62 = vector.load %arg3[%get3A_60, %get3A_61] : memref<1x12800xf32, #tpu.memory_space<vmem>>, vector<1x128xf32>
    %add3A_63 = vector.broadcast %get3A_62 : vector<1x128xf32> to vector<128x128xf32>
    %add3A_64 = arith.addf %dot_general3A_59, %add3A_63 : vector<128x128xf32>
    %swap3A_65 = arith.constant 0 : index
    %swap3A_66 = arith.constant 384 : index
    %swap3A_67 = vector.load %arg4[%swap3A_65, %swap3A_66] : memref<128x12800xf32, #tpu.memory_space<vmem>>, vector<128x128xf32>
    tpu.vector_store %arg4[%swap3A_65, %swap3A_66], %add3A_64 {strides = array<i32>} : memref<128x12800xf32, #tpu.memory_space<vmem>>, vector<128x128xf32>,
    %get3A_68 = arith.constant 0 : index
    %get3A_69 = arith.constant 512 : index
    %get3A_70 = vector.load %arg1[%get3A_68, %get3A_69] : memref<128x12800xf32, #tpu.memory_space<vmem>>, vector<128x128xf32>
    %get3A_71 = arith.constant 4 : index
    %get3A_72 = arith.constant 0 : index
    %get3A_73 = arith.constant 0 : index
    %get3A_74 = vector.load %arg2[%get3A_71, %get3A_72, %get3A_73] : memref<100x128x128xf32, #tpu.memory_space<vmem>>, vector<1x128x128xf32>
    %get3A_75 = vector.shape_cast %get3A_74 : vector<1x128x128xf32> to vector<128x128xf32>
    %dot_general3A_76 = arith.constant dense<0.000000e+00> : vector<128x128xf32>
    %dot_general3A_77 = tpu.matmul %get3A_70, %get3A_75, %dot_general3A_76 {dimension_numbers = #tpu.dot_dimension_numbers<[1], [0], [0], [1], [0, 0, 1, 1], [], []>, transpose_lhs_hint = false} : vector<128x128xf32>, vector<128x128xf32>, vector<128x128xf32> -> vector<128x128xf32>
    %get3A_78 = arith.constant 0 : index
    %get3A_79 = arith.constant 512 : index
    %get3A_80 = vector.load %arg3[%get3A_78, %get3A_79] : memref<1x12800xf32, #tpu.memory_space<vmem>>, vector<1x128xf32>
    %add3A_81 = vector.broadcast %get3A_80 : vector<1x128xf32> to vector<128x128xf32>
    %add3A_82 = arith.addf %dot_general3A_77, %add3A_81 : vector<128x128xf32>
    %swap3A_83 = arith.constant 0 : index
    %swap3A_84 = arith.constant 512 : index
    %swap3A_85 = vector.load %arg4[%swap3A_83, %swap3A_84] : memref<128x12800xf32, #tpu.memory_space<vmem>>, vector<128x128xf32>
    tpu.vector_store %arg4[%swap3A_83, %swap3A_84], %add3A_82 {strides = array<i32>} : memref<128x12800xf32, #tpu.memory_space<vmem>>, vector<128x128xf32>,
    %get3A_86 = arith.constant 0 : index
    %get3A_87 = arith.constant 640 : index
    %get3A_88 = vector.load %arg1[%get3A_86, %get3A_87] : memref<128x12800xf32, #tpu.memory_space<vmem>>, vector<128x128xf32>
    %get3A_89 = arith.constant 5 : index
    %get3A_90 = arith.constant 0 : index
    %get3A_91 = arith.constant 0 : index
    %get3A_92 = vector.load %arg2[%get3A_89, %get3A_90, %get3A_91] : memref<100x128x128xf32, #tpu.memory_space<vmem>>, vector<1x128x128xf32>
    %get3A_93 = vector.shape_cast %get3A_92 : vector<1x128x128xf32> to vector<128x128xf32>
    %dot_general3A_94 = arith.constant dense<0.000000e+00> : vector<128x128xf32>
    %dot_general3A_95 = tpu.matmul %get3A_88, %get3A_93, %dot_general3A_94 {dimension_numbers = #tpu.dot_dimension_numbers<[1], [0], [0], [1], [0, 0, 1, 1], [], []>, transpose_lhs_hint = false} : vector<128x128xf32>, vector<128x128xf32>, vector<128x128xf32> -> vector<128x128xf32>
    %get3A_96 = arith.constant 0 : index
    %get3A_97 = arith.constant 640 : index
    %get3A_98 = vector.load %arg3[%get3A_96, %get3A_97] : memref<1x12800xf32, #tpu.memory_space<vmem>>, vector<1x128xf32>
    %add3A_99 = vector.broadcast %get3A_98 : vector<1x128xf32> to vector<128x128xf32>
    %add3A_100 = arith.addf %dot_general3A_95, %add3A_99 : vector<128x128xf32>
    %swap3A_101 = arith.constant 0 : index
    %swap3A_102 = arith.constant 640 : index
    %swap3A_103 = vector.load %arg4[%swap3A_101, %swap3A_102] : memref<128x12800xf32, #tpu.memory_space<vmem>>, vector<128x128xf32>
    tpu.vector_store %arg4[%swap3A_101, %swap3A_102], %add3A_100 {strides = array<i32>} : memref<128x12800xf32, #tpu.memory_space<vmem>>, vector<128x128xf32>,
    %get3A_104 = arith.constant 0 : index
    %get3A_105 = arith.constant 768 : index
    %get3A_106 = vector.load %arg1[%get3A_104, %get3A_105] : memref<128x12800xf32, #tpu.memory_space<vmem>>, vector<128x128xf32>
    %get3A_107 = arith.constant 6 : index
    %get3A_108 = arith.constant 0 : index
    %get3A_109 = arith.constant 0 : index
    %get3A_110 = vector.load %arg2[%get3A_107, %get3A_108, %get3A_109] : memref<100x128x128xf32, #tpu.memory_space<vmem>>, vector<1x128x128xf32>
    %get3A_111 = vector.shape_cast %get3A_110 : vector<1x128x128xf32> to vector<128x128xf32>
    %dot_general3A_112 = arith.constant dense<0.000000e+00> : vector<128x128xf32>
    %dot_general3A_113 = tpu.matmul %get3A_106, %get3A_111, %dot_general3A_112 {dimension_numbers = #tpu.dot_dimension_numbers<[1], [0], [0], [1], [0, 0, 1, 1], [], []>, transpose_lhs_hint = false} : vector<128x128xf32>, vector<128x128xf32>, vector<128x128xf32> -> vector<128x128xf32>
    %get3A_114 = arith.constant 0 : index
    %get3A_115 = arith.constant 768 : index
    %get3A_116 = vector.load %arg3[%get3A_114, %get3A_115] : memref<1x12800xf32, #tpu.memory_space<vmem>>, vector<1x128xf32>
    %add3A_117 = vector.broadcast %get3A_116 : vector<1x128xf32> to vector<128x128xf32>
    %add3A_118 = arith.addf %dot_general3A_113, %add3A_117 : vector<128x128xf32>
    %swap3A_119 = arith.constant 0 : index
    %swap3A_120 = arith.constant 768 : index
    %swap3A_121 = vector.load %arg4[%swap3A_119, %swap3A_120] : memref<128x12800xf32, #tpu.memory_space<vmem>>, vector<128x128xf32>
    tpu.vector_store %arg4[%swap3A_119, %swap3A_120], %add3A_118 {strides = array<i32>} : memref<128x12800xf32, #tpu.memory_space<vmem>>, vector<128x128xf32>,
    %get3A_122 = arith.constant 0 : index
    %get3A_123 = arith.constant 896 : index
    %get3A_124 = vector.load %arg1[%get3A_122, %get3A_123] : memref<128x12800xf32, #tpu.memory_space<vmem>>, vector<128x128xf32>
    %get3A_125 = arith.constant 7 : index
    %get3A_126 = arith.constant 0 : index
    %get3A_127 = arith.constant 0 : index
    %get3A_128 = vector.load %arg2[%get3A_125, %get3A_126, %get3A_127] : memref<100x128x128xf32, #tpu.memory_space<vmem>>, vector<1x128x128xf32>
    %get3A_129 = vector.shape_cast %get3A_128 : vector<1x128x128xf32> to vector<128x128xf32>
    %dot_general3A_130 = arith.constant dense<0.000000e+00> : vector<128x128xf32>
    %dot_general3A_131 = tpu.matmul %get3A_124, %get3A_129, %dot_general3A_130 {dimension_numbers = #tpu.dot_dimension_numbers<[1], [0], [0], [1], [0, 0, 1, 1], [], []>, transpose_lhs_hint = false} : vector<128x128xf32>, vector<128x128xf32>, vector<128x128xf32> -> vector<128x128xf32>
    %get3A_132 = arith.constant 0 : index
    %get3A_133 = arith.constant 896 : index
    %get3A_134 = vector.load %arg3[%get3A_132, %get3A_133] : memref<1x12800xf32, #tpu.memory_space<vmem>>, vector<1x128xf32>
    %add3A_135 = vector.broadcast %get3A_134 : vector<1x128xf32> to vector<128x128xf32>
    %add3A_136 = arith.addf %dot_general3A_131, %add3A_135 : vector<128x128xf32>
    %swap3A_137 = arith.constant 0 : index
    %swap3A_138 = arith.constant 896 : index
    %swap3A_139 = vector.load %arg4[%swap3A_137, %swap3A_138] : memref<128x12800xf32, #tpu.memory_space<vmem>>, vector<128x128xf32>
    tpu.vector_store %arg4[%swap3A_137, %swap3A_138], %add3A_136 {strides = array<i32>} : memref<128x12800xf32, #tpu.memory_space<vmem>>, vector<128x128xf32>,
    %get3A_140 = arith.constant 0 : index
    %get3A_141 = arith.constant 1024 : index
    %get3A_142 = vector.load %arg1[%get3A_140, %get3A_141] : memref<128x12800xf32, #tpu.memory_space<vmem>>, vector<128x128xf32>
    %get3A_143 = arith.constant 8 : index
    %get3A_144 = arith.constant 0 : index
    %get3A_145 = arith.constant 0 : index
    %get3A_146 = vector.load %arg2[%get3A_143, %get3A_144, %get3A_145] : memref<100x128x128xf32, #tpu.memory_space<vmem>>, vector<1x128x128xf32>
    %get3A_147 = vector.shape_cast %get3A_146 : vector<1x128x128xf32> to vector<128x128xf32>
    %dot_general3A_148 = arith.constant dense<0.000000e+00> : vector<128x128xf32>
    %dot_general3A_149 = tpu.matmul %get3A_142, %get3A_147, %dot_general3A_148 {dimension_numbers = #tpu.dot_dimension_numbers<[1], [0], [0], [1], [0, 0, 1, 1], [], []>, transpose_lhs_hint = false} : vector<128x128xf32>, vector<128x128xf32>, vector<128x128xf32> -> vector<128x128xf32>
    %get3A_150 = arith.constant 0 : index
    %get3A_151 = arith.constant 1024 : index
    %get3A_152 = vector.load %arg3[%get3A_150, %get3A_151] : memref<1x12800xf32, #tpu.memory_space<vmem>>, vector<1x128xf32>
    %add3A_153 = vector.broadcast %get3A_152 : vector<1x128xf32> to vector<128x128xf32>
    %add3A_154 = arith.addf %dot_general3A_149, %add3A_153 : vector<128x128xf32>
    %swap3A_155 = arith.constant 0 : index
    %swap3A_156 = arith.constant 1024 : index
    %swap3A_157 = vector.load %arg4[%swap3A_155, %swap3A_156] : memref<128x12800xf32, #tpu.memory_space<vmem>>, vector<128x128xf32>
    tpu.vector_store %arg4[%swap3A_155, %swap3A_156], %add3A_154 {strides = array<i32>} : memref<128x12800xf32, #tpu.memory_space<vmem>>, vector<128x128xf32>,
    %get3A_158 = arith.constant 0 : index
    %get3A_159 = arith.constant 1152 : index
    %get3A_160 = vector.load %arg1[%get3A_158, %get3A_159] : memref<128x12800xf32, #tpu.memory_space<vmem>>, vector<128x128xf32>
    %get3A_161 = arith.constant 9 : index
    %get3A_162 = arith.constant 0 : index
    %get3A_163 = arith.constant 0 : index
    %get3A_164 = vector.load %arg2[%get3A_161, %get3A_162, %get3A_163] : memref<100x128x128xf32, #tpu.memory_space<vmem>>, vector<1x128x128xf32>
    %get3A_165 = vector.shape_cast %get3A_164 : vector<1x128x128xf32> to vector<128x128xf32>
    %dot_general3A_166 = arith.constant dense<0.000000e+00> : vector<128x128xf32>
    %dot_general3A_167 = tpu.matmul %get3A_160, %get3A_165, %dot_general3A_166 {dimension_numbers = #tpu.dot_dimension_numbers<[1], [0], [0], [1], [0, 0, 1, 1], [], []>, transpose_lhs_hint = false} : vector<128x128xf32>, vector<128x128xf32>, vector<128x128xf32> -> vector<128x128xf32>
    %get3A_168 = arith.constant 0 : index
    %get3A_169 = arith.constant 1152 : index
    %get3A_170 = vector.load %arg3[%get3A_168, %get3A_169] : memref<1x12800xf32, #tpu.memory_space<vmem>>, vector<1x128xf32>
    %add3A_171 = vector.broadcast %get3A_170 : vector<1x128xf32> to vector<128x128xf32>
    %add3A_172 = arith.addf %dot_general3A_167, %add3A_171 : vector<128x128xf32>
    %swap3A_173 = arith.constant 0 : index
    %swap3A_174 = arith.constant 1152 : index
    %swap3A_175 = vector.load %arg4[%swap3A_173, %swap3A_174] : memref<128x12800xf32, #tpu.memory_space<vmem>>, vector<128x128xf32>
    tpu.vector_store %arg4[%swap3A_173, %swap3A_174], %add3A_172 {strides = array<i32>} : memref<128x12800xf32, #tpu.memory_space<vmem>>, vector<128x128xf32>,
    %get3A_176 = arith.constant 0 : index
    %get3A_177 = arith.constant 1280 : index
    %get3A_178 = vector.load %arg1[%get3A_176, %get3A_177] : memref<128x12800xf32, #tpu.memory_space<vmem>>, vector<128x128xf32>
    %get3A_179 = arith.constant 10 : index
    %get3A_180 = arith.constant 0 : index
    %get3A_181 = arith.constant 0 : index
    %get3A_182 = vector.load %arg2[%get3A_179, %get3A_180, %get3A_181] : memref<100x128x128xf32, #tpu.memory_space<vmem>>, vector<1x128x128xf32>
    %get3A_183 = vector.shape_cast %get3A_182 : vector<1x128x128xf32> to vector<128x128xf32>
    %dot_general3A_184 = arith.constant dense<0.000000e+00> : vector<128x128xf32>
    %dot_general3A_185 = tpu.matmul %get3A_178, %get3A_183, %dot_general3A_184 {dimension_numbers = #tpu.dot_dimension_numbers<[1], [0], [0], [1], [0, 0, 1, 1], [], []>, transpose_lhs_hint = false} : vector<128x128xf32>, vector<128x128xf32>, vector<128x128xf32> -> vector<128x128xf32>
    %get3A_186 = arith.constant 0 : index
    %get3A_187 = arith.constant 1280 : index
    %get3A_188 = vector.load %arg3[%get3A_186, %get3A_187] : memref<1x12800xf32, #tpu.memory_space<vmem>>, vector<1x128xf32>
    %add3A_189 = vector.broadcast %get3A_188 : vector<1x128xf32> to vector<128x128xf32>
    %add3A_190 = arith.addf %dot_general3A_185, %add3A_189 : vector<128x128xf32>
    %swap3A_191 = arith.constant 0 : index
    %swap3A_192 = arith.constant 1280 : index
    %swap3A_193 = vector.load %arg4[%swap3A_191, %swap3A_192] : memref<128x12800xf32, #tpu.memory_space<vmem>>, vector<128x128xf32>
    tpu.vector_store %arg4[%swap3A_191, %swap3A_192], %add3A_190 {strides = array<i32>} : memref<128x12800xf32, #tpu.memory_space<vmem>>, vector<128x128xf32>,
    %get3A_194 = arith.constant 0 : index
    %get3A_195 = arith.constant 1408 : index
    %get3A_196 = vector.load %arg1[%get3A_194, %get3A_195] : memref<128x12800xf32, #tpu.memory_space<vmem>>, vector<128x128xf32>
    %get3A_197 = arith.constant 11 : index
    %get3A_198 = arith.constant 0 : index
    %get3A_199 = arith.constant 0 : index
    %get3A_200 = vector.load %arg2[%get3A_197, %get3A_198, %get3A_199] : memref<100x128x128xf32, #tpu.memory_space<vmem>>, vector<1x128x128xf32>
    %get3A_201 = vector.shape_cast %get3A_200 : vector<1x128x128xf32> to vector<128x128xf32>
    %dot_general3A_202 = arith.constant dense<0.000000e+00> : vector<128x128xf32>
    %dot_general3A_203 = tpu.matmul %get3A_196, %get3A_201, %dot_general3A_202 {dimension_numbers = #tpu.dot_dimension_numbers<[1], [0], [0], [1], [0, 0, 1, 1], [], []>, transpose_lhs_hint = false} : vector<128x128xf32>, vector<128x128xf32>, vector<128x128xf32> -> vector<128x128xf32>
    %get3A_204 = arith.constant 0 : index
    %get3A_205 = arith.constant 1408 : index
    %get3A_206 = vector.load %arg3[%get3A_204, %get3A_205] : memref<1x12800xf32, #tpu.memory_space<vmem>>, vector<1x128xf32>
    %add3A_207 = vector.broadcast %get3A_206 : vector<1x128xf32> to vector<128x128xf32>
    %add3A_208 = arith.addf %dot_general3A_203, %add3A_207 : vector<128x128xf32>
    %swap3A_209 = arith.constant 0 : index
    %swap3A_210 = arith.constant 1408 : index
    %swap3A_211 = vector.load %arg4[%swap3A_209, %swap3A_210] : memref<128x12800xf32, #tpu.memory_space<vmem>>, vector<128x128xf32>
    tpu.vector_store %arg4[%swap3A_209, %swap3A_210], %add3A_208 {strides = array<i32>} : memref<128x12800xf32, #tpu.memory_space<vmem>>, vector<128x128xf32>,
    %get3A_212 = arith.constant 0 : index
    %get3A_213 = arith.constant 1536 : index
    %get3A_214 = vector.load %arg1[%get3A_212, %get3A_213] : memref<128x12800xf32, #tpu.memory_space<vmem>>, vector<128x128xf32>
    %get3A_215 = arith.constant 12 : index
    %get3A_216 = arith.constant 0 : index
    %get3A_217 = arith.constant 0 : index
    %get3A_218 = vector.load %arg2[%get3A_215, %get3A_216, %get3A_217] : memref<100x128x128xf32, #tpu.memory_space<vmem>>, vector<1x128x128xf32>
    %get3A_219 = vector.shape_cast %get3A_218 : vector<1x128x128xf32> to vector<128x128xf32>
    %dot_general3A_220 = arith.constant dense<0.000000e+00> : vector<128x128xf32>
    %dot_general3A_221 = tpu.matmul %get3A_214, %get3A_219, %dot_general3A_220 {dimension_numbers = #tpu.dot_dimension_numbers<[1], [0], [0], [1], [0, 0, 1, 1], [], []>, transpose_lhs_hint = false} : vector<128x128xf32>, vector<128x128xf32>, vector<128x128xf32> -> vector<128x128xf32>
    %get3A_222 = arith.constant 0 : index
    %get3A_223 = arith.constant 1536 : index
    %get3A_224 = vector.load %arg3[%get3A_222, %get3A_223] : memref<1x12800xf32, #tpu.memory_space<vmem>>, vector<1x128xf32>
    %add3A_225 = vector.broadcast %get3A_224 : vector<1x128xf32> to vector<128x128xf32>
    %add3A_226 = arith.addf %dot_general3A_221, %add3A_225 : vector<128x128xf32>
    %swap3A_227 = arith.constant 0 : index
    %swap3A_228 = arith.constant 1536 : index
    %swap3A_229 = vector.load %arg4[%swap3A_227, %swap3A_228] : memref<128x12800xf32, #tpu.memory_space<vmem>>, vector<128x128xf32>
    tpu.vector_store %arg4[%swap3A_227, %swap3A_228], %add3A_226 {strides = array<i32>} : memref<128x12800xf32, #tpu.memory_space<vmem>>, vector<128x128xf32>,
    %get3A_230 = arith.constant 0 : index
    %get3A_231 = arith.constant 1664 : index
    %get3A_232 = vector.load %arg1[%get3A_230, %get3A_231] : memref<128x12800xf32, #tpu.memory_space<vmem>>, vector<128x128xf32>
    %get3A_233 = arith.constant 13 : index
    %get3A_234 = arith.constant 0 : index
    %get3A_235 = arith.constant 0 : index
    %get3A_236 = vector.load %arg2[%get3A_233, %get3A_234, %get3A_235] : memref<100x128x128xf32, #tpu.memory_space<vmem>>, vector<1x128x128xf32>
    %get3A_237 = vector.shape_cast %get3A_236 : vector<1x128x128xf32> to vector<128x128xf32>
    %dot_general3A_238 = arith.constant dense<0.000000e+00> : vector<128x128xf32>
    %dot_general3A_239 = tpu.matmul %get3A_232, %get3A_237, %dot_general3A_238 {dimension_numbers = #tpu.dot_dimension_numbers<[1], [0], [0], [1], [0, 0, 1, 1], [], []>, transpose_lhs_hint = false} : vector<128x128xf32>, vector<128x128xf32>, vector<128x128xf32> -> vector<128x128xf32>
    %get3A_240 = arith.constant 0 : index
    %get3A_241 = arith.constant 1664 : index
    %get3A_242 = vector.load %arg3[%get3A_240, %get3A_241] : memref<1x12800xf32, #tpu.memory_space<vmem>>, vector<1x128xf32>
    %add3A_243 = vector.broadcast %get3A_242 : vector<1x128xf32> to vector<128x128xf32>
    %add3A_244 = arith.addf %dot_general3A_239, %add3A_243 : vector<128x128xf32>
    %swap3A_245 = arith.constant 0 : index
    %swap3A_246 = arith.constant 1664 : index
    %swap3A_247 = vector.load %arg4[%swap3A_245, %swap3A_246] : memref<128x12800xf32, #tpu.memory_space<vmem>>, vector<128x128xf32>
    tpu.vector_store %arg4[%swap3A_245, %swap3A_246], %add3A_244 {strides = array<i32>} : memref<128x12800xf32, #tpu.memory_space<vmem>>, vector<128x128xf32>,
    %get3A_248 = arith.constant 0 : index
    %get3A_249 = arith.constant 1792 : index
    %get3A_250 = vector.load %arg1[%get3A_248, %get3A_249] : memref<128x12800xf32, #tpu.memory_space<vmem>>, vector<128x128xf32>
    %get3A_251 = arith.constant 14 : index
    %get3A_252 = arith.constant 0 : index
    %get3A_253 = arith.constant 0 : index
    %get3A_254 = vector.load %arg2[%get3A_251, %get3A_252, %get3A_253] : memref<100x128x128xf32, #tpu.memory_space<vmem>>, vector<1x128x128xf32>
    %get3A_255 = vector.shape_cast %get3A_254 : vector<1x128x128xf32> to vector<128x128xf32>
    %dot_general3A_256 = arith.constant dense<0.000000e+00> : vector<128x128xf32>
    %dot_general3A_257 = tpu.matmul %get3A_250, %get3A_255, %dot_general3A_256 {dimension_numbers = #tpu.dot_dimension_numbers<[1], [0], [0], [1], [0, 0, 1, 1], [], []>, transpose_lhs_hint = false} : vector<128x128xf32>, vector<128x128xf32>, vector<128x128xf32> -> vector<128x128xf32>
    %get3A_258 = arith.constant 0 : index
    %get3A_259 = arith.constant 1792 : index
    %get3A_260 = vector.load %arg3[%get3A_258, %get3A_259] : memref<1x12800xf32, #tpu.memory_space<vmem>>, vector<1x128xf32>
    %add3A_261 = vector.broadcast %get3A_260 : vector<1x128xf32> to vector<128x128xf32>
    %add3A_262 = arith.addf %dot_general3A_257, %add3A_261 : vector<128x128xf32>
    %swap3A_263 = arith.constant 0 : index
    %swap3A_264 = arith.constant 1792 : index
    %swap3A_265 = vector.load %arg4[%swap3A_263, %swap3A_264] : memref<128x12800xf32, #tpu.memory_space<vmem>>, vector<128x128xf32>
    tpu.vector_store %arg4[%swap3A_263, %swap3A_264], %add3A_262 {strides = array<i32>} : memref<128x12800xf32, #tpu.memory_space<vmem>>, vector<128x128xf32>,
    %get3A_266 = arith.constant 0 : index
    %get3A_267 = arith.constant 1920 : index
    %get3A_268 = vector.load %arg1[%get3A_266, %get3A_267] : memref<128x12800xf32, #tpu.memory_space<vmem>>, vector<128x128xf32>
    %get3A_269 = arith.constant 15 : index
    %get3A_270 = arith.constant 0 : index
    %get3A_271 = arith.constant 0 : index
    %get3A_272 = vector.load %arg2[%get3A_269, %get3A_270, %get3A_271] : memref<100x128x128xf32, #tpu.memory_space<vmem>>, vector<1x128x128xf32>
    %get3A_273 = vector.shape_cast %get3A_272 : vector<1x128x128xf32> to vector<128x128xf32>
    %dot_general3A_274 = arith.constant dense<0.000000e+00> : vector<128x128xf32>
    %dot_general3A_275 = tpu.matmul %get3A_268, %get3A_273, %dot_general3A_274 {dimension_numbers = #tpu.dot_dimension_numbers<[1], [0], [0], [1], [0, 0, 1, 1], [], []>, transpose_lhs_hint = false} : vector<128x128xf32>, vector<128x128xf32>, vector<128x128xf32> -> vector<128x128xf32>
    %get3A_276 = arith.constant 0 : index
    %get3A_277 = arith.constant 1920 : index
    %get3A_278 = vector.load %arg3[%get3A_276, %get3A_277] : memref<1x12800xf32, #tpu.memory_space<vmem>>, vector<1x128xf32>
    %add3A_279 = vector.broadcast %get3A_278 : vector<1x128xf32> to vector<128x128xf32>
    %add3A_280 = arith.addf %dot_general3A_275, %add3A_279 : vector<128x128xf32>
    %swap3A_281 = arith.constant 0 : index
    %swap3A_282 = arith.constant 1920 : index
    %swap3A_283 = vector.load %arg4[%swap3A_281, %swap3A_282] : memref<128x12800xf32, #tpu.memory_space<vmem>>, vector<128x128xf32>
    tpu.vector_store %arg4[%swap3A_281, %swap3A_282], %add3A_280 {strides = array<i32>} : memref<128x12800xf32, #tpu.memory_space<vmem>>, vector<128x128xf32>,
    %get3A_284 = arith.constant 0 : index
    %get3A_285 = arith.constant 2048 : index
    %get3A_286 = vector.load %arg1[%get3A_284, %get3A_285] : memref<128x12800xf32, #tpu.memory_space<vmem>>, vector<128x128xf32>
    %get3A_287 = arith.constant 16 : index
    %get3A_288 = arith.constant 0 : index
    %get3A_289 = arith.constant 0 : index
    %get3A_290 = vector.load %arg2[%get3A_287, %get3A_288, %get3A_289] : memref<100x128x128xf32, #tpu.memory_space<vmem>>, vector<1x128x128xf32>
    %get3A_291 = vector.shape_cast %get3A_290 : vector<1x128x128xf32> to vector<128x128xf32>
    %dot_general3A_292 = arith.constant dense<0.000000e+00> : vector<128x128xf32>
    %dot_general3A_293 = tpu.matmul %get3A_286, %get3A_291, %dot_general3A_292 {dimension_numbers = #tpu.dot_dimension_numbers<[1], [0], [0], [1], [0, 0, 1, 1], [], []>, transpose_lhs_hint = false} : vector<128x128xf32>, vector<128x128xf32>, vector<128x128xf32> -> vector<128x128xf32>
    %get3A_294 = arith.constant 0 : index
    %get3A_295 = arith.constant 2048 : index
    %get3A_296 = vector.load %arg3[%get3A_294, %get3A_295] : memref<1x12800xf32, #tpu.memory_space<vmem>>, vector<1x128xf32>
    %add3A_297 = vector.broadcast %get3A_296 : vector<1x128xf32> to vector<128x128xf32>
    %add3A_298 = arith.addf %dot_general3A_293, %add3A_297 : vector<128x128xf32>
    %swap3A_299 = arith.constant 0 : index
    %swap3A_300 = arith.constant 2048 : index
    %swap3A_301 = vector.load %arg4[%swap3A_299, %swap3A_300] : memref<128x12800xf32, #tpu.memory_space<vmem>>, vector<128x128xf32>
    tpu.vector_store %arg4[%swap3A_299, %swap3A_300], %add3A_298 {strides = array<i32>} : memref<128x12800xf32, #tpu.memory_space<vmem>>, vector<128x128xf32>,
    %get3A_302 = arith.constant 0 : index
    %get3A_303 = arith.constant 2176 : index
    %get3A_304 = vector.load %arg1[%get3A_302, %get3A_303] : memref<128x12800xf32, #tpu.memory_space<vmem>>, vector<128x128xf32>
    %get3A_305 = arith.constant 17 : index
    %get3A_306 = arith.constant 0 : index
    %get3A_307 = arith.constant 0 : index
    %get3A_308 = vector.load %arg2[%get3A_305, %get3A_306, %get3A_307] : memref<100x128x128xf32, #tpu.memory_space<vmem>>, vector<1x128x128xf32>
    %get3A_309 = vector.shape_cast %get3A_308 : vector<1x128x128xf32> to vector<128x128xf32>
    %dot_general3A_310 = arith.constant dense<0.000000e+00> : vector<128x128xf32>
    %dot_general3A_311 = tpu.matmul %get3A_304, %get3A_309, %dot_general3A_310 {dimension_numbers = #tpu.dot_dimension_numbers<[1], [0], [0], [1], [0, 0, 1, 1], [], []>, transpose_lhs_hint = false} : vector<128x128xf32>, vector<128x128xf32>, vector<128x128xf32> -> vector<128x128xf32>
    %get3A_312 = arith.constant 0 : index
    %get3A_313 = arith.constant 2176 : index
    %get3A_314 = vector.load %arg3[%get3A_312, %get3A_313] : memref<1x12800xf32, #tpu.memory_space<vmem>>, vector<1x128xf32>
    %add3A_315 = vector.broadcast %get3A_314 : vector<1x128xf32> to vector<128x128xf32>
    %add3A_316 = arith.addf %dot_general3A_311, %add3A_315 : vector<128x128xf32>
    %swap3A_317 = arith.constant 0 : index
    %swap3A_318 = arith.constant 2176 : index
    %swap3A_319 = vector.load %arg4[%swap3A_317, %swap3A_318] : memref<128x12800xf32, #tpu.memory_space<vmem>>, vector<128x128xf32>
    tpu.vector_store %arg4[%swap3A_317, %swap3A_318], %add3A_316 {strides = array<i32>} : memref<128x12800xf32, #tpu.memory_space<vmem>>, vector<128x128xf32>,
    %get3A_320 = arith.constant 0 : index
    %get3A_321 = arith.constant 2304 : index
    %get3A_322 = vector.load %arg1[%get3A_320, %get3A_321] : memref<128x12800xf32, #tpu.memory_space<vmem>>, vector<128x128xf32>
    %get3A_323 = arith.constant 18 : index
    %get3A_324 = arith.constant 0 : index
    %get3A_325 = arith.constant 0 : index
    %get3A_326 = vector.load %arg2[%get3A_323, %get3A_324, %get3A_325] : memref<100x128x128xf32, #tpu.memory_space<vmem>>, vector<1x128x128xf32>
    %get3A_327 = vector.shape_cast %get3A_326 : vector<1x128x128xf32> to vector<128x128xf32>
    %dot_general3A_328 = arith.constant dense<0.000000e+00> : vector<128x128xf32>
    %dot_general3A_329 = tpu.matmul %get3A_322, %get3A_327, %dot_general3A_328 {dimension_numbers = #tpu.dot_dimension_numbers<[1], [0], [0], [1], [0, 0, 1, 1], [], []>, transpose_lhs_hint = false} : vector<128x128xf32>, vector<128x128xf32>, vector<128x128xf32> -> vector<128x128xf32>
    %get3A_330 = arith.constant 0 : index
    %get3A_331 = arith.constant 2304 : index
    %get3A_332 = vector.load %arg3[%get3A_330, %get3A_331] : memref<1x12800xf32, #tpu.memory_space<vmem>>, vector<1x128xf32>
    %add3A_333 = vector.broadcast %get3A_332 : vector<1x128xf32> to vector<128x128xf32>
    %add3A_334 = arith.addf %dot_general3A_329, %add3A_333 : vector<128x128xf32>
    %swap3A_335 = arith.constant 0 : index
    %swap3A_336 = arith.constant 2304 : index
    %swap3A_337 = vector.load %arg4[%swap3A_335, %swap3A_336] : memref<128x12800xf32, #tpu.memory_space<vmem>>, vector<128x128xf32>
    tpu.vector_store %arg4[%swap3A_335, %swap3A_336], %add3A_334 {strides = array<i32>} : memref<128x12800xf32, #tpu.memory_space<vmem>>, vector<128x128xf32>,
    %get3A_338 = arith.constant 0 : index
    %get3A_339 = arith.constant 2432 : index
    %get3A_340 = vector.load %arg1[%get3A_338, %get3A_339] : memref<128x12800xf32, #tpu.memory_space<vmem>>, vector<128x128xf32>
    %get3A_341 = arith.constant 19 : index
    %get3A_342 = arith.constant 0 : index
    %get3A_343 = arith.constant 0 : index
    %get3A_344 = vector.load %arg2[%get3A_341, %get3A_342, %get3A_343] : memref<100x128x128xf32, #tpu.memory_space<vmem>>, vector<1x128x128xf32>
    %get3A_345 = vector.shape_cast %get3A_344 : vector<1x128x128xf32> to vector<128x128xf32>
    %dot_general3A_346 = arith.constant dense<0.000000e+00> : vector<128x128xf32>
    %dot_general3A_347 = tpu.matmul %get3A_340, %get3A_345, %dot_general3A_346 {dimension_numbers = #tpu.dot_dimension_numbers<[1], [0], [0], [1], [0, 0, 1, 1], [], []>, transpose_lhs_hint = false} : vector<128x128xf32>, vector<128x128xf32>, vector<128x128xf32> -> vector<128x128xf32>
    %get3A_348 = arith.constant 0 : index
    %get3A_349 = arith.constant 2432 : index
    %get3A_350 = vector.load %arg3[%get3A_348, %get3A_349] : memref<1x12800xf32, #tpu.memory_space<vmem>>, vector<1x128xf32>
    %add3A_351 = vector.broadcast %get3A_350 : vector<1x128xf32> to vector<128x128xf32>
    %add3A_352 = arith.addf %dot_general3A_347, %add3A_351 : vector<128x128xf32>
    %swap3A_353 = arith.constant 0 : index
    %swap3A_354 = arith.constant 2432 : index
    %swap3A_355 = vector.load %arg4[%swap3A_353, %swap3A_354] : memref<128x12800xf32, #tpu.memory_space<vmem>>, vector<128x128xf32>
    tpu.vector_store %arg4[%swap3A_353, %swap3A_354], %add3A_352 {strides = array<i32>} : memref<128x12800xf32, #tpu.memory_space<vmem>>, vector<128x128xf32>,
    %get3A_356 = arith.constant 0 : index
    %get3A_357 = arith.constant 2560 : index
    %get3A_358 = vector.load %arg1[%get3A_356, %get3A_357] : memref<128x12800xf32, #tpu.memory_space<vmem>>, vector<128x128xf32>
    %get3A_359 = arith.constant 20 : index
    %get3A_360 = arith.constant 0 : index
    %get3A_361 = arith.constant 0 : index
    %get3A_362 = vector.load %arg2[%get3A_359, %get3A_360, %get3A_361] : memref<100x128x128xf32, #tpu.memory_space<vmem>>, vector<1x128x128xf32>
    %get3A_363 = vector.shape_cast %get3A_362 : vector<1x128x128xf32> to vector<128x128xf32>
    %dot_general3A_364 = arith.constant dense<0.000000e+00> : vector<128x128xf32>
    %dot_general3A_365 = tpu.matmul %get3A_358, %get3A_363, %dot_general3A_364 {dimension_numbers = #tpu.dot_dimension_numbers<[1], [0], [0], [1], [0, 0, 1, 1], [], []>, transpose_lhs_hint = false} : vector<128x128xf32>, vector<128x128xf32>, vector<128x128xf32> -> vector<128x128xf32>
    %get3A_366 = arith.constant 0 : index
    %get3A_367 = arith.constant 2560 : index
    %get3A_368 = vector.load %arg3[%get3A_366, %get3A_367] : memref<1x12800xf32, #tpu.memory_space<vmem>>, vector<1x128xf32>
    %add3A_369 = vector.broadcast %get3A_368 : vector<1x128xf32> to vector<128x128xf32>
    %add3A_370 = arith.addf %dot_general3A_365, %add3A_369 : vector<128x128xf32>
    %swap3A_371 = arith.constant 0 : index
    %swap3A_372 = arith.constant 2560 : index
    %swap3A_373 = vector.load %arg4[%swap3A_371, %swap3A_372] : memref<128x12800xf32, #tpu.memory_space<vmem>>, vector<128x128xf32>
    tpu.vector_store %arg4[%swap3A_371, %swap3A_372], %add3A_370 {strides = array<i32>} : memref<128x12800xf32, #tpu.memory_space<vmem>>, vector<128x128xf32>,
    %get3A_374 = arith.constant 0 : index
    %get3A_375 = arith.constant 2688 : index
    %get3A_376 = vector.load %arg1[%get3A_374, %get3A_375] : memref<128x12800xf32, #tpu.memory_space<vmem>>, vector<128x128xf32>
    %get3A_377 = arith.constant 21 : index
    %get3A_378 = arith.constant 0 : index
    %get3A_379 = arith.constant 0 : index
    %get3A_380 = vector.load %arg2[%get3A_377, %get3A_378, %get3A_379] : memref<100x128x128xf32, #tpu.memory_space<vmem>>, vector<1x128x128xf32>
    %get3A_381 = vector.shape_cast %get3A_380 : vector<1x128x128xf32> to vector<128x128xf32>
    %dot_general3A_382 = arith.constant dense<0.000000e+00> : vector<128x128xf32>
    %dot_general3A_383 = tpu.matmul %get3A_376, %get3A_381, %dot_general3A_382 {dimension_numbers = #tpu.dot_dimension_numbers<[1], [0], [0], [1], [0, 0, 1, 1], [], []>, transpose_lhs_hint = false} : vector<128x128xf32>, vector<128x128xf32>, vector<128x128xf32> -> vector<128x128xf32>
    %get3A_384 = arith.constant 0 : index
    %get3A_385 = arith.constant 2688 : index
    %get3A_386 = vector.load %arg3[%get3A_384, %get3A_385] : memref<1x12800xf32, #tpu.memory_space<vmem>>, vector<1x128xf32>
    %add3A_387 = vector.broadcast %get3A_386 : vector<1x128xf32> to vector<128x128xf32>
    %add3A_388 = arith.addf %dot_general3A_383, %add3A_387 : vector<128x128xf32>
    %swap3A_389 = arith.constant 0 : index
    %swap3A_390 = arith.constant 2688 : index
    %swap3A_391 = vector.load %arg4[%swap3A_389, %swap3A_390] : memref<128x12800xf32, #tpu.memory_space<vmem>>, vector<128x128xf32>
    tpu.vector_store %arg4[%swap3A_389, %swap3A_390], %add3A_388 {strides = array<i32>} : memref<128x12800xf32, #tpu.memory_space<vmem>>, vector<128x128xf32>,
    %get3A_392 = arith.constant 0 : index
    %get3A_393 = arith.constant 2816 : index
    %get3A_394 = vector.load %arg1[%get3A_392, %get3A_393] : memref<128x12800xf32, #tpu.memory_space<vmem>>, vector<128x128xf32>
    %get3A_395 = arith.constant 22 : index
    %get3A_396 = arith.constant 0 : index
    %get3A_397 = arith.constant 0 : index
    %get3A_398 = vector.load %arg2[%get3A_395, %get3A_396, %get3A_397] : memref<100x128x128xf32, #tpu.memory_space<vmem>>, vector<1x128x128xf32>
    %get3A_399 = vector.shape_cast %get3A_398 : vector<1x128x128xf32> to vector<128x128xf32>
    %dot_general3A_400 = arith.constant dense<0.000000e+00> : vector<128x128xf32>
    %dot_general3A_401 = tpu.matmul %get3A_394, %get3A_399, %dot_general3A_400 {dimension_numbers = #tpu.dot_dimension_numbers<[1], [0], [0], [1], [0, 0, 1, 1], [], []>, transpose_lhs_hint = false} : vector<128x128xf32>, vector<128x128xf32>, vector<128x128xf32> -> vector<128x128xf32>
    %get3A_402 = arith.constant 0 : index
    %get3A_403 = arith.constant 2816 : index
    %get3A_404 = vector.load %arg3[%get3A_402, %get3A_403] : memref<1x12800xf32, #tpu.memory_space<vmem>>, vector<1x128xf32>
    %add3A_405 = vector.broadcast %get3A_404 : vector<1x128xf32> to vector<128x128xf32>
    %add3A_406 = arith.addf %dot_general3A_401, %add3A_405 : vector<128x128xf32>
    %swap3A_407 = arith.constant 0 : index
    %swap3A_408 = arith.constant 2816 : index
    %swap3A_409 = vector.load %arg4[%swap3A_407, %swap3A_408] : memref<128x12800xf32, #tpu.memory_space<vmem>>, vector<128x128xf32>
    tpu.vector_store %arg4[%swap3A_407, %swap3A_408], %add3A_406 {strides = array<i32>} : memref<128x12800xf32, #tpu.memory_space<vmem>>, vector<128x128xf32>,
    %get3A_410 = arith.constant 0 : index
    %get3A_411 = arith.constant 2944 : index
    %get3A_412 = vector.load %arg1[%get3A_410, %get3A_411] : memref<128x12800xf32, #tpu.memory_space<vmem>>, vector<128x128xf32>
    %get3A_413 = arith.constant 23 : index
    %get3A_414 = arith.constant 0 : index
    %get3A_415 = arith.constant 0 : index
    %get3A_416 = vector.load %arg2[%get3A_413, %get3A_414, %get3A_415] : memref<100x128x128xf32, #tpu.memory_space<vmem>>, vector<1x128x128xf32>
    %get3A_417 = vector.shape_cast %get3A_416 : vector<1x128x128xf32> to vector<128x128xf32>
    %dot_general3A_418 = arith.constant dense<0.000000e+00> : vector<128x128xf32>
    %dot_general3A_419 = tpu.matmul %get3A_412, %get3A_417, %dot_general3A_418 {dimension_numbers = #tpu.dot_dimension_numbers<[1], [0], [0], [1], [0, 0, 1, 1], [], []>, transpose_lhs_hint = false} : vector<128x128xf32>, vector<128x128xf32>, vector<128x128xf32> -> vector<128x128xf32>
    %get3A_420 = arith.constant 0 : index
    %get3A_421 = arith.constant 2944 : index
    %get3A_422 = vector.load %arg3[%get3A_420, %get3A_421] : memref<1x12800xf32, #tpu.memory_space<vmem>>, vector<1x128xf32>
    %add3A_423 = vector.broadcast %get3A_422 : vector<1x128xf32> to vector<128x128xf32>
    %add3A_424 = arith.addf %dot_general3A_419, %add3A_423 : vector<128x128xf32>
    %swap3A_425 = arith.constant 0 : index
    %swap3A_426 = arith.constant 2944 : index
    %swap3A_427 = vector.load %arg4[%swap3A_425, %swap3A_426] : memref<128x12800xf32, #tpu.memory_space<vmem>>, vector<128x128xf32>
    tpu.vector_store %arg4[%swap3A_425, %swap3A_426], %add3A_424 {strides = array<i32>} : memref<128x12800xf32, #tpu.memory_space<vmem>>, vector<128x128xf32>,
    %get3A_428 = arith.constant 0 : index
    %get3A_429 = arith.constant 3072 : index
    %get3A_430 = vector.load %arg1[%get3A_428, %get3A_429] : memref<128x12800xf32, #tpu.memory_space<vmem>>, vector<128x128xf32>
    %get3A_431 = arith.constant 24 : index
    %get3A_432 = arith.constant 0 : index
    %get3A_433 = arith.constant 0 : index
    %get3A_434 = vector.load %arg2[%get3A_431, %get3A_432, %get3A_433] : memref<100x128x128xf32, #tpu.memory_space<vmem>>, vector<1x128x128xf32>
    %get3A_435 = vector.shape_cast %get3A_434 : vector<1x128x128xf32> to vector<128x128xf32>
    %dot_general3A_436 = arith.constant dense<0.000000e+00> : vector<128x128xf32>
    %dot_general3A_437 = tpu.matmul %get3A_430, %get3A_435, %dot_general3A_436 {dimension_numbers = #tpu.dot_dimension_numbers<[1], [0], [0], [1], [0, 0, 1, 1], [], []>, transpose_lhs_hint = false} : vector<128x128xf32>, vector<128x128xf32>, vector<128x128xf32> -> vector<128x128xf32>
    %get3A_438 = arith.constant 0 : index
    %get3A_439 = arith.constant 3072 : index
    %get3A_440 = vector.load %arg3[%get3A_438, %get3A_439] : memref<1x12800xf32, #tpu.memory_space<vmem>>, vector<1x128xf32>
    %add3A_441 = vector.broadcast %get3A_440 : vector<1x128xf32> to vector<128x128xf32>
    %add3A_442 = arith.addf %dot_general3A_437, %add3A_441 : vector<128x128xf32>
    %swap3A_443 = arith.constant 0 : index
    %swap3A_444 = arith.constant 3072 : index
    %swap3A_445 = vector.load %arg4[%swap3A_443, %swap3A_444] : memref<128x12800xf32, #tpu.memory_space<vmem>>, vector<128x128xf32>
    tpu.vector_store %arg4[%swap3A_443, %swap3A_444], %add3A_442 {strides = array<i32>} : memref<128x12800xf32, #tpu.memory_space<vmem>>, vector<128x128xf32>,
    %get3A_446 = arith.constant 0 : index
    %get3A_447 = arith.constant 3200 : index
    %get3A_448 = vector.load %arg1[%get3A_446, %get3A_447] : memref<128x12800xf32, #tpu.memory_space<vmem>>, vector<128x128xf32>
    %get3A_449 = arith.constant 25 : index
    %get3A_450 = arith.constant 0 : index
    %get3A_451 = arith.constant 0 : index
    %get3A_452 = vector.load %arg2[%get3A_449, %get3A_450, %get3A_451] : memref<100x128x128xf32, #tpu.memory_space<vmem>>, vector<1x128x128xf32>
    %get3A_453 = vector.shape_cast %get3A_452 : vector<1x128x128xf32> to vector<128x128xf32>
    %dot_general3A_454 = arith.constant dense<0.000000e+00> : vector<128x128xf32>
    %dot_general3A_455 = tpu.matmul %get3A_448, %get3A_453, %dot_general3A_454 {dimension_numbers = #tpu.dot_dimension_numbers<[1], [0], [0], [1], [0, 0, 1, 1], [], []>, transpose_lhs_hint = false} : vector<128x128xf32>, vector<128x128xf32>, vector<128x128xf32> -> vector<128x128xf32>
    %get3A_456 = arith.constant 0 : index
    %get3A_457 = arith.constant 3200 : index
    %get3A_458 = vector.load %arg3[%get3A_456, %get3A_457] : memref<1x12800xf32, #tpu.memory_space<vmem>>, vector<1x128xf32>
    %add3A_459 = vector.broadcast %get3A_458 : vector<1x128xf32> to vector<128x128xf32>
    %add3A_460 = arith.addf %dot_general3A_455, %add3A_459 : vector<128x128xf32>
    %swap3A_461 = arith.constant 0 : index
    %swap3A_462 = arith.constant 3200 : index
    %swap3A_463 = vector.load %arg4[%swap3A_461, %swap3A_462] : memref<128x12800xf32, #tpu.memory_space<vmem>>, vector<128x128xf32>
    tpu.vector_store %arg4[%swap3A_461, %swap3A_462], %add3A_460 {strides = array<i32>} : memref<128x12800xf32, #tpu.memory_space<vmem>>, vector<128x128xf32>,
    %get3A_464 = arith.constant 0 : index
    %get3A_465 = arith.constant 3328 : index
    %get3A_466 = vector.load %arg1[%get3A_464, %get3A_465] : memref<128x12800xf32, #tpu.memory_space<vmem>>, vector<128x128xf32>
    %get3A_467 = arith.constant 26 : index
    %get3A_468 = arith.constant 0 : index
    %get3A_469 = arith.constant 0 : index
    %get3A_470 = vector.load %arg2[%get3A_467, %get3A_468, %get3A_469] : memref<100x128x128xf32, #tpu.memory_space<vmem>>, vector<1x128x128xf32>
    %get3A_471 = vector.shape_cast %get3A_470 : vector<1x128x128xf32> to vector<128x128xf32>
    %dot_general3A_472 = arith.constant dense<0.000000e+00> : vector<128x128xf32>
    %dot_general3A_473 = tpu.matmul %get3A_466, %get3A_471, %dot_general3A_472 {dimension_numbers = #tpu.dot_dimension_numbers<[1], [0], [0], [1], [0, 0, 1, 1], [], []>, transpose_lhs_hint = false} : vector<128x128xf32>, vector<128x128xf32>, vector<128x128xf32> -> vector<128x128xf32>
    %get3A_474 = arith.constant 0 : index
    %get3A_475 = arith.constant 3328 : index
    %get3A_476 = vector.load %arg3[%get3A_474, %get3A_475] : memref<1x12800xf32, #tpu.memory_space<vmem>>, vector<1x128xf32>
    %add3A_477 = vector.broadcast %get3A_476 : vector<1x128xf32> to vector<128x128xf32>
    %add3A_478 = arith.addf %dot_general3A_473, %add3A_477 : vector<128x128xf32>
    %swap3A_479 = arith.constant 0 : index
    %swap3A_480 = arith.constant 3328 : index
    %swap3A_481 = vector.load %arg4[%swap3A_479, %swap3A_480] : memref<128x12800xf32, #tpu.memory_space<vmem>>, vector<128x128xf32>
    tpu.vector_store %arg4[%swap3A_479, %swap3A_480], %add3A_478 {strides = array<i32>} : memref<128x12800xf32, #tpu.memory_space<vmem>>, vector<128x128xf32>,
    %get3A_482 = arith.constant 0 : index
    %get3A_483 = arith.constant 3456 : index
    %get3A_484 = vector.load %arg1[%get3A_482, %get3A_483] : memref<128x12800xf32, #tpu.memory_space<vmem>>, vector<128x128xf32>
    %get3A_485 = arith.constant 27 : index
    %get3A_486 = arith.constant 0 : index
    %get3A_487 = arith.constant 0 : index
    %get3A_488 = vector.load %arg2[%get3A_485, %get3A_486, %get3A_487] : memref<100x128x128xf32, #tpu.memory_space<vmem>>, vector<1x128x128xf32>
    %get3A_489 = vector.shape_cast %get3A_488 : vector<1x128x128xf32> to vector<128x128xf32>
    %dot_general3A_490 = arith.constant dense<0.000000e+00> : vector<128x128xf32>
    %dot_general3A_491 = tpu.matmul %get3A_484, %get3A_489, %dot_general3A_490 {dimension_numbers = #tpu.dot_dimension_numbers<[1], [0], [0], [1], [0, 0, 1, 1], [], []>, transpose_lhs_hint = false} : vector<128x128xf32>, vector<128x128xf32>, vector<128x128xf32> -> vector<128x128xf32>
    %get3A_492 = arith.constant 0 : index
    %get3A_493 = arith.constant 3456 : index
    %get3A_494 = vector.load %arg3[%get3A_492, %get3A_493] : memref<1x12800xf32, #tpu.memory_space<vmem>>, vector<1x128xf32>
    %add3A_495 = vector.broadcast %get3A_494 : vector<1x128xf32> to vector<128x128xf32>
    %add3A_496 = arith.addf %dot_general3A_491, %add3A_495 : vector<128x128xf32>
    %swap3A_497 = arith.constant 0 : index
    %swap3A_498 = arith.constant 3456 : index
    %swap3A_499 = vector.load %arg4[%swap3A_497, %swap3A_498] : memref<128x12800xf32, #tpu.memory_space<vmem>>, vector<128x128xf32>
    tpu.vector_store %arg4[%swap3A_497, %swap3A_498], %add3A_496 {strides = array<i32>} : memref<128x12800xf32, #tpu.memory_space<vmem>>, vector<128x128xf32>,
    %get3A_500 = arith.constant 0 : index
    %get3A_501 = arith.constant 3584 : index
    %get3A_502 = vector.load %arg1[%get3A_500, %get3A_501] : memref<128x12800xf32, #tpu.memory_space<vmem>>, vector<128x128xf32>
    %get3A_503 = arith.constant 28 : index
    %get3A_504 = arith.constant 0 : index
    %get3A_505 = arith.constant 0 : index
    %get3A_506 = vector.load %arg2[%get3A_503, %get3A_504, %get3A_505] : memref<100x128x128xf32, #tpu.memory_space<vmem>>, vector<1x128x128xf32>
    %get3A_507 = vector.shape_cast %get3A_506 : vector<1x128x128xf32> to vector<128x128xf32>
    %dot_general3A_508 = arith.constant dense<0.000000e+00> : vector<128x128xf32>
    %dot_general3A_509 = tpu.matmul %get3A_502, %get3A_507, %dot_general3A_508 {dimension_numbers = #tpu.dot_dimension_numbers<[1], [0], [0], [1], [0, 0, 1, 1], [], []>, transpose_lhs_hint = false} : vector<128x128xf32>, vector<128x128xf32>, vector<128x128xf32> -> vector<128x128xf32>
    %get3A_510 = arith.constant 0 : index
    %get3A_511 = arith.constant 3584 : index
    %get3A_512 = vector.load %arg3[%get3A_510, %get3A_511] : memref<1x12800xf32, #tpu.memory_space<vmem>>, vector<1x128xf32>
    %add3A_513 = vector.broadcast %get3A_512 : vector<1x128xf32> to vector<128x128xf32>
    %add3A_514 = arith.addf %dot_general3A_509, %add3A_513 : vector<128x128xf32>
    %swap3A_515 = arith.constant 0 : index
    %swap3A_516 = arith.constant 3584 : index
    %swap3A_517 = vector.load %arg4[%swap3A_515, %swap3A_516] : memref<128x12800xf32, #tpu.memory_space<vmem>>, vector<128x128xf32>
    tpu.vector_store %arg4[%swap3A_515, %swap3A_516], %add3A_514 {strides = array<i32>} : memref<128x12800xf32, #tpu.memory_space<vmem>>, vector<128x128xf32>,
    %get3A_518 = arith.constant 0 : index
    %get3A_519 = arith.constant 3712 : index
    %get3A_520 = vector.load %arg1[%get3A_518, %get3A_519] : memref<128x12800xf32, #tpu.memory_space<vmem>>, vector<128x128xf32>
    %get3A_521 = arith.constant 29 : index
    %get3A_522 = arith.constant 0 : index
    %get3A_523 = arith.constant 0 : index
    %get3A_524 = vector.load %arg2[%get3A_521, %get3A_522, %get3A_523] : memref<100x128x128xf32, #tpu.memory_space<vmem>>, vector<1x128x128xf32>
    %get3A_525 = vector.shape_cast %get3A_524 : vector<1x128x128xf32> to vector<128x128xf32>
    %dot_general3A_526 = arith.constant dense<0.000000e+00> : vector<128x128xf32>
    %dot_general3A_527 = tpu.matmul %get3A_520, %get3A_525, %dot_general3A_526 {dimension_numbers = #tpu.dot_dimension_numbers<[1], [0], [0], [1], [0, 0, 1, 1], [], []>, transpose_lhs_hint = false} : vector<128x128xf32>, vector<128x128xf32>, vector<128x128xf32> -> vector<128x128xf32>
    %get3A_528 = arith.constant 0 : index
    %get3A_529 = arith.constant 3712 : index
    %get3A_530 = vector.load %arg3[%get3A_528, %get3A_529] : memref<1x12800xf32, #tpu.memory_space<vmem>>, vector<1x128xf32>
    %add3A_531 = vector.broadcast %get3A_530 : vector<1x128xf32> to vector<128x128xf32>
    %add3A_532 = arith.addf %dot_general3A_527, %add3A_531 : vector<128x128xf32>
    %swap3A_533 = arith.constant 0 : index
    %swap3A_534 = arith.constant 3712 : index
    %swap3A_535 = vector.load %arg4[%swap3A_533, %swap3A_534] : memref<128x12800xf32, #tpu.memory_space<vmem>>, vector<128x128xf32>
    tpu.vector_store %arg4[%swap3A_533, %swap3A_534], %add3A_532 {strides = array<i32>} : memref<128x12800xf32, #tpu.memory_space<vmem>>, vector<128x128xf32>,
    %get3A_536 = arith.constant 0 : index
    %get3A_537 = arith.constant 3840 : index
    %get3A_538 = vector.load %arg1[%get3A_536, %get3A_537] : memref<128x12800xf32, #tpu.memory_space<vmem>>, vector<128x128xf32>
    %get3A_539 = arith.constant 30 : index
    %get3A_540 = arith.constant 0 : index
    %get3A_541 = arith.constant 0 : index
    %get3A_542 = vector.load %arg2[%get3A_539, %get3A_540, %get3A_541] : memref<100x128x128xf32, #tpu.memory_space<vmem>>, vector<1x128x128xf32>
    %get3A_543 = vector.shape_cast %get3A_542 : vector<1x128x128xf32> to vector<128x128xf32>
    %dot_general3A_544 = arith.constant dense<0.000000e+00> : vector<128x128xf32>
    %dot_general3A_545 = tpu.matmul %get3A_538, %get3A_543, %dot_general3A_544 {dimension_numbers = #tpu.dot_dimension_numbers<[1], [0], [0], [1], [0, 0, 1, 1], [], []>, transpose_lhs_hint = false} : vector<128x128xf32>, vector<128x128xf32>, vector<128x128xf32> -> vector<128x128xf32>
    %get3A_546 = arith.constant 0 : index
    %get3A_547 = arith.constant 3840 : index
    %get3A_548 = vector.load %arg3[%get3A_546, %get3A_547] : memref<1x12800xf32, #tpu.memory_space<vmem>>, vector<1x128xf32>
    %add3A_549 = vector.broadcast %get3A_548 : vector<1x128xf32> to vector<128x128xf32>
    %add3A_550 = arith.addf %dot_general3A_545, %add3A_549 : vector<128x128xf32>
    %swap3A_551 = arith.constant 0 : index
    %swap3A_552 = arith.constant 3840 : index
    %swap3A_553 = vector.load %arg4[%swap3A_551, %swap3A_552] : memref<128x12800xf32, #tpu.memory_space<vmem>>, vector<128x128xf32>
    tpu.vector_store %arg4[%swap3A_551, %swap3A_552], %add3A_550 {strides = array<i32>} : memref<128x12800xf32, #tpu.memory_space<vmem>>, vector<128x128xf32>,
    %get3A_554 = arith.constant 0 : index
    %get3A_555 = arith.constant 3968 : index
    %get3A_556 = vector.load %arg1[%get3A_554, %get3A_555] : memref<128x12800xf32, #tpu.memory_space<vmem>>, vector<128x128xf32>
    %get3A_557 = arith.constant 31 : index
    %get3A_558 = arith.constant 0 : index
    %get3A_559 = arith.constant 0 : index
    %get3A_560 = vector.load %arg2[%get3A_557, %get3A_558, %get3A_559] : memref<100x128x128xf32, #tpu.memory_space<vmem>>, vector<1x128x128xf32>
    %get3A_561 = vector.shape_cast %get3A_560 : vector<1x128x128xf32> to vector<128x128xf32>
    %dot_general3A_562 = arith.constant dense<0.000000e+00> : vector<128x128xf32>
    %dot_general3A_563 = tpu.matmul %get3A_556, %get3A_561, %dot_general3A_562 {dimension_numbers = #tpu.dot_dimension_numbers<[1], [0], [0], [1], [0, 0, 1, 1], [], []>, transpose_lhs_hint = false} : vector<128x128xf32>, vector<128x128xf32>, vector<128x128xf32> -> vector<128x128xf32>
    %get3A_564 = arith.constant 0 : index
    %get3A_565 = arith.constant 3968 : index
    %get3A_566 = vector.load %arg3[%get3A_564, %get3A_565] : memref<1x12800xf32, #tpu.memory_space<vmem>>, vector<1x128xf32>
    %add3A_567 = vector.broadcast %get3A_566 : vector<1x128xf32> to vector<128x128xf32>
    %add3A_568 = arith.addf %dot_general3A_563, %add3A_567 : vector<128x128xf32>
    %swap3A_569 = arith.constant 0 : index
    %swap3A_570 = arith.constant 3968 : index
    %swap3A_571 = vector.load %arg4[%swap3A_569, %swap3A_570] : memref<128x12800xf32, #tpu.memory_space<vmem>>, vector<128x128xf32>
    tpu.vector_store %arg4[%swap3A_569, %swap3A_570], %add3A_568 {strides = array<i32>} : memref<128x12800xf32, #tpu.memory_space<vmem>>, vector<128x128xf32>,
    %get3A_572 = arith.constant 0 : index
    %get3A_573 = arith.constant 4096 : index
    %get3A_574 = vector.load %arg1[%get3A_572, %get3A_573] : memref<128x12800xf32, #tpu.memory_space<vmem>>, vector<128x128xf32>
    %get3A_575 = arith.constant 32 : index
    %get3A_576 = arith.constant 0 : index
    %get3A_577 = arith.constant 0 : index
    %get3A_578 = vector.load %arg2[%get3A_575, %get3A_576, %get3A_577] : memref<100x128x128xf32, #tpu.memory_space<vmem>>, vector<1x128x128xf32>
    %get3A_579 = vector.shape_cast %get3A_578 : vector<1x128x128xf32> to vector<128x128xf32>
    %dot_general3A_580 = arith.constant dense<0.000000e+00> : vector<128x128xf32>
    %dot_general3A_581 = tpu.matmul %get3A_574, %get3A_579, %dot_general3A_580 {dimension_numbers = #tpu.dot_dimension_numbers<[1], [0], [0], [1], [0, 0, 1, 1], [], []>, transpose_lhs_hint = false} : vector<128x128xf32>, vector<128x128xf32>, vector<128x128xf32> -> vector<128x128xf32>
    %get3A_582 = arith.constant 0 : index
    %get3A_583 = arith.constant 4096 : index
    %get3A_584 = vector.load %arg3[%get3A_582, %get3A_583] : memref<1x12800xf32, #tpu.memory_space<vmem>>, vector<1x128xf32>
    %add3A_585 = vector.broadcast %get3A_584 : vector<1x128xf32> to vector<128x128xf32>
    %add3A_586 = arith.addf %dot_general3A_581, %add3A_585 : vector<128x128xf32>
    %swap3A_587 = arith.constant 0 : index
    %swap3A_588 = arith.constant 4096 : index
    %swap3A_589 = vector.load %arg4[%swap3A_587, %swap3A_588] : memref<128x12800xf32, #tpu.memory_space<vmem>>, vector<128x128xf32>
    tpu.vector_store %arg4[%swap3A_587, %swap3A_588], %add3A_586 {strides = array<i32>} : memref<128x12800xf32, #tpu.memory_space<vmem>>, vector<128x128xf32>,
    %get3A_590 = arith.constant 0 : index
    %get3A_591 = arith.constant 4224 : index
    %get3A_592 = vector.load %arg1[%get3A_590, %get3A_591] : memref<128x12800xf32, #tpu.memory_space<vmem>>, vector<128x128xf32>
    %get3A_593 = arith.constant 33 : index
    %get3A_594 = arith.constant 0 : index
    %get3A_595 = arith.constant 0 : index
    %get3A_596 = vector.load %arg2[%get3A_593, %get3A_594, %get3A_595] : memref<100x128x128xf32, #tpu.memory_space<vmem>>, vector<1x128x128xf32>
    %get3A_597 = vector.shape_cast %get3A_596 : vector<1x128x128xf32> to vector<128x128xf32>
    %dot_general3A_598 = arith.constant dense<0.000000e+00> : vector<128x128xf32>
    %dot_general3A_599 = tpu.matmul %get3A_592, %get3A_597, %dot_general3A_598 {dimension_numbers = #tpu.dot_dimension_numbers<[1], [0], [0], [1], [0, 0, 1, 1], [], []>, transpose_lhs_hint = false} : vector<128x128xf32>, vector<128x128xf32>, vector<128x128xf32> -> vector<128x128xf32>
    %get3A_600 = arith.constant 0 : index
    %get3A_601 = arith.constant 4224 : index
    %get3A_602 = vector.load %arg3[%get3A_600, %get3A_601] : memref<1x12800xf32, #tpu.memory_space<vmem>>, vector<1x128xf32>
    %add3A_603 = vector.broadcast %get3A_602 : vector<1x128xf32> to vector<128x128xf32>
    %add3A_604 = arith.addf %dot_general3A_599, %add3A_603 : vector<128x128xf32>
    %swap3A_605 = arith.constant 0 : index
    %swap3A_606 = arith.constant 4224 : index
    %swap3A_607 = vector.load %arg4[%swap3A_605, %swap3A_606] : memref<128x12800xf32, #tpu.memory_space<vmem>>, vector<128x128xf32>
    tpu.vector_store %arg4[%swap3A_605, %swap3A_606], %add3A_604 {strides = array<i32>} : memref<128x12800xf32, #tpu.memory_space<vmem>>, vector<128x128xf32>,
    %get3A_608 = arith.constant 0 : index
    %get3A_609 = arith.constant 4352 : index
    %get3A_610 = vector.load %arg1[%get3A_608, %get3A_609] : memref<128x12800xf32, #tpu.memory_space<vmem>>, vector<128x128xf32>
    %get3A_611 = arith.constant 34 : index
    %get3A_612 = arith.constant 0 : index
    %get3A_613 = arith.constant 0 : index
    %get3A_614 = vector.load %arg2[%get3A_611, %get3A_612, %get3A_613] : memref<100x128x128xf32, #tpu.memory_space<vmem>>, vector<1x128x128xf32>
    %get3A_615 = vector.shape_cast %get3A_614 : vector<1x128x128xf32> to vector<128x128xf32>
    %dot_general3A_616 = arith.constant dense<0.000000e+00> : vector<128x128xf32>
    %dot_general3A_617 = tpu.matmul %get3A_610, %get3A_615, %dot_general3A_616 {dimension_numbers = #tpu.dot_dimension_numbers<[1], [0], [0], [1], [0, 0, 1, 1], [], []>, transpose_lhs_hint = false} : vector<128x128xf32>, vector<128x128xf32>, vector<128x128xf32> -> vector<128x128xf32>
    %get3A_618 = arith.constant 0 : index
    %get3A_619 = arith.constant 4352 : index
    %get3A_620 = vector.load %arg3[%get3A_618, %get3A_619] : memref<1x12800xf32, #tpu.memory_space<vmem>>, vector<1x128xf32>
    %add3A_621 = vector.broadcast %get3A_620 : vector<1x128xf32> to vector<128x128xf32>
    %add3A_622 = arith.addf %dot_general3A_617, %add3A_621 : vector<128x128xf32>
    %swap3A_623 = arith.constant 0 : index
    %swap3A_624 = arith.constant 4352 : index
    %swap3A_625 = vector.load %arg4[%swap3A_623, %swap3A_624] : memref<128x12800xf32, #tpu.memory_space<vmem>>, vector<128x128xf32>
    tpu.vector_store %arg4[%swap3A_623, %swap3A_624], %add3A_622 {strides = array<i32>} : memref<128x12800xf32, #tpu.memory_space<vmem>>, vector<128x128xf32>,
    %get3A_626 = arith.constant 0 : index
    %get3A_627 = arith.constant 4480 : index
    %get3A_628 = vector.load %arg1[%get3A_626, %get3A_627] : memref<128x12800xf32, #tpu.memory_space<vmem>>, vector<128x128xf32>
    %get3A_629 = arith.constant 35 : index
    %get3A_630 = arith.constant 0 : index
    %get3A_631 = arith.constant 0 : index
    %get3A_632 = vector.load %arg2[%get3A_629, %get3A_630, %get3A_631] : memref<100x128x128xf32, #tpu.memory_space<vmem>>, vector<1x128x128xf32>
    %get3A_633 = vector.shape_cast %get3A_632 : vector<1x128x128xf32> to vector<128x128xf32>
    %dot_general3A_634 = arith.constant dense<0.000000e+00> : vector<128x128xf32>
    %dot_general3A_635 = tpu.matmul %get3A_628, %get3A_633, %dot_general3A_634 {dimension_numbers = #tpu.dot_dimension_numbers<[1], [0], [0], [1], [0, 0, 1, 1], [], []>, transpose_lhs_hint = false} : vector<128x128xf32>, vector<128x128xf32>, vector<128x128xf32> -> vector<128x128xf32>
    %get3A_636 = arith.constant 0 : index
    %get3A_637 = arith.constant 4480 : index
    %get3A_638 = vector.load %arg3[%get3A_636, %get3A_637] : memref<1x12800xf32, #tpu.memory_space<vmem>>, vector<1x128xf32>
    %add3A_639 = vector.broadcast %get3A_638 : vector<1x128xf32> to vector<128x128xf32>
    %add3A_640 = arith.addf %dot_general3A_635, %add3A_639 : vector<128x128xf32>
    %swap3A_641 = arith.constant 0 : index
    %swap3A_642 = arith.constant 4480 : index
    %swap3A_643 = vector.load %arg4[%swap3A_641, %swap3A_642] : memref<128x12800xf32, #tpu.memory_space<vmem>>, vector<128x128xf32>
    tpu.vector_store %arg4[%swap3A_641, %swap3A_642], %add3A_640 {strides = array<i32>} : memref<128x12800xf32, #tpu.memory_space<vmem>>, vector<128x128xf32>,
    %get3A_644 = arith.constant 0 : index
    %get3A_645 = arith.constant 4608 : index
    %get3A_646 = vector.load %arg1[%get3A_644, %get3A_645] : memref<128x12800xf32, #tpu.memory_space<vmem>>, vector<128x128xf32>
    %get3A_647 = arith.constant 36 : index
    %get3A_648 = arith.constant 0 : index
    %get3A_649 = arith.constant 0 : index
    %get3A_650 = vector.load %arg2[%get3A_647, %get3A_648, %get3A_649] : memref<100x128x128xf32, #tpu.memory_space<vmem>>, vector<1x128x128xf32>
    %get3A_651 = vector.shape_cast %get3A_650 : vector<1x128x128xf32> to vector<128x128xf32>
    %dot_general3A_652 = arith.constant dense<0.000000e+00> : vector<128x128xf32>
    %dot_general3A_653 = tpu.matmul %get3A_646, %get3A_651, %dot_general3A_652 {dimension_numbers = #tpu.dot_dimension_numbers<[1], [0], [0], [1], [0, 0, 1, 1], [], []>, transpose_lhs_hint = false} : vector<128x128xf32>, vector<128x128xf32>, vector<128x128xf32> -> vector<128x128xf32>
    %get3A_654 = arith.constant 0 : index
    %get3A_655 = arith.constant 4608 : index
    %get3A_656 = vector.load %arg3[%get3A_654, %get3A_655] : memref<1x12800xf32, #tpu.memory_space<vmem>>, vector<1x128xf32>
    %add3A_657 = vector.broadcast %get3A_656 : vector<1x128xf32> to vector<128x128xf32>
    %add3A_658 = arith.addf %dot_general3A_653, %add3A_657 : vector<128x128xf32>
    %swap3A_659 = arith.constant 0 : index
    %swap3A_660 = arith.constant 4608 : index
    %swap3A_661 = vector.load %arg4[%swap3A_659, %swap3A_660] : memref<128x12800xf32, #tpu.memory_space<vmem>>, vector<128x128xf32>
    tpu.vector_store %arg4[%swap3A_659, %swap3A_660], %add3A_658 {strides = array<i32>} : memref<128x12800xf32, #tpu.memory_space<vmem>>, vector<128x128xf32>,
    %get3A_662 = arith.constant 0 : index
    %get3A_663 = arith.constant 4736 : index
    %get3A_664 = vector.load %arg1[%get3A_662, %get3A_663] : memref<128x12800xf32, #tpu.memory_space<vmem>>, vector<128x128xf32>
    %get3A_665 = arith.constant 37 : index
    %get3A_666 = arith.constant 0 : index
    %get3A_667 = arith.constant 0 : index
    %get3A_668 = vector.load %arg2[%get3A_665, %get3A_666, %get3A_667] : memref<100x128x128xf32, #tpu.memory_space<vmem>>, vector<1x128x128xf32>
    %get3A_669 = vector.shape_cast %get3A_668 : vector<1x128x128xf32> to vector<128x128xf32>
    %dot_general3A_670 = arith.constant dense<0.000000e+00> : vector<128x128xf32>
    %dot_general3A_671 = tpu.matmul %get3A_664, %get3A_669, %dot_general3A_670 {dimension_numbers = #tpu.dot_dimension_numbers<[1], [0], [0], [1], [0, 0, 1, 1], [], []>, transpose_lhs_hint = false} : vector<128x128xf32>, vector<128x128xf32>, vector<128x128xf32> -> vector<128x128xf32>
    %get3A_672 = arith.constant 0 : index
    %get3A_673 = arith.constant 4736 : index
    %get3A_674 = vector.load %arg3[%get3A_672, %get3A_673] : memref<1x12800xf32, #tpu.memory_space<vmem>>, vector<1x128xf32>
    %add3A_675 = vector.broadcast %get3A_674 : vector<1x128xf32> to vector<128x128xf32>
    %add3A_676 = arith.addf %dot_general3A_671, %add3A_675 : vector<128x128xf32>
    %swap3A_677 = arith.constant 0 : index
    %swap3A_678 = arith.constant 4736 : index
    %swap3A_679 = vector.load %arg4[%swap3A_677, %swap3A_678] : memref<128x12800xf32, #tpu.memory_space<vmem>>, vector<128x128xf32>
    tpu.vector_store %arg4[%swap3A_677, %swap3A_678], %add3A_676 {strides = array<i32>} : memref<128x12800xf32, #tpu.memory_space<vmem>>, vector<128x128xf32>,
    %get3A_680 = arith.constant 0 : index
    %get3A_681 = arith.constant 4864 : index
    %get3A_682 = vector.load %arg1[%get3A_680, %get3A_681] : memref<128x12800xf32, #tpu.memory_space<vmem>>, vector<128x128xf32>
    %get3A_683 = arith.constant 38 : index
    %get3A_684 = arith.constant 0 : index
    %get3A_685 = arith.constant 0 : index
    %get3A_686 = vector.load %arg2[%get3A_683, %get3A_684, %get3A_685] : memref<100x128x128xf32, #tpu.memory_space<vmem>>, vector<1x128x128xf32>
    %get3A_687 = vector.shape_cast %get3A_686 : vector<1x128x128xf32> to vector<128x128xf32>
    %dot_general3A_688 = arith.constant dense<0.000000e+00> : vector<128x128xf32>
    %dot_general3A_689 = tpu.matmul %get3A_682, %get3A_687, %dot_general3A_688 {dimension_numbers = #tpu.dot_dimension_numbers<[1], [0], [0], [1], [0, 0, 1, 1], [], []>, transpose_lhs_hint = false} : vector<128x128xf32>, vector<128x128xf32>, vector<128x128xf32> -> vector<128x128xf32>
    %get3A_690 = arith.constant 0 : index
    %get3A_691 = arith.constant 4864 : index
    %get3A_692 = vector.load %arg3[%get3A_690, %get3A_691] : memref<1x12800xf32, #tpu.memory_space<vmem>>, vector<1x128xf32>
    %add3A_693 = vector.broadcast %get3A_692 : vector<1x128xf32> to vector<128x128xf32>
    %add3A_694 = arith.addf %dot_general3A_689, %add3A_693 : vector<128x128xf32>
    %swap3A_695 = arith.constant 0 : index
    %swap3A_696 = arith.constant 4864 : index
    %swap3A_697 = vector.load %arg4[%swap3A_695, %swap3A_696] : memref<128x12800xf32, #tpu.memory_space<vmem>>, vector<128x128xf32>
    tpu.vector_store %arg4[%swap3A_695, %swap3A_696], %add3A_694 {strides = array<i32>} : memref<128x12800xf32, #tpu.memory_space<vmem>>, vector<128x128xf32>,
    %get3A_698 = arith.constant 0 : index
    %get3A_699 = arith.constant 4992 : index
    %get3A_700 = vector.load %arg1[%get3A_698, %get3A_699] : memref<128x12800xf32, #tpu.memory_space<vmem>>, vector<128x128xf32>
    %get3A_701 = arith.constant 39 : index
    %get3A_702 = arith.constant 0 : index
    %get3A_703 = arith.constant 0 : index
    %get3A_704 = vector.load %arg2[%get3A_701, %get3A_702, %get3A_703] : memref<100x128x128xf32, #tpu.memory_space<vmem>>, vector<1x128x128xf32>
    %get3A_705 = vector.shape_cast %get3A_704 : vector<1x128x128xf32> to vector<128x128xf32>
    %dot_general3A_706 = arith.constant dense<0.000000e+00> : vector<128x128xf32>
    %dot_general3A_707 = tpu.matmul %get3A_700, %get3A_705, %dot_general3A_706 {dimension_numbers = #tpu.dot_dimension_numbers<[1], [0], [0], [1], [0, 0, 1, 1], [], []>, transpose_lhs_hint = false} : vector<128x128xf32>, vector<128x128xf32>, vector<128x128xf32> -> vector<128x128xf32>
    %get3A_708 = arith.constant 0 : index
    %get3A_709 = arith.constant 4992 : index
    %get3A_710 = vector.load %arg3[%get3A_708, %get3A_709] : memref<1x12800xf32, #tpu.memory_space<vmem>>, vector<1x128xf32>
    %add3A_711 = vector.broadcast %get3A_710 : vector<1x128xf32> to vector<128x128xf32>
    %add3A_712 = arith.addf %dot_general3A_707, %add3A_711 : vector<128x128xf32>
    %swap3A_713 = arith.constant 0 : index
    %swap3A_714 = arith.constant 4992 : index
    %swap3A_715 = vector.load %arg4[%swap3A_713, %swap3A_714] : memref<128x12800xf32, #tpu.memory_space<vmem>>, vector<128x128xf32>
    tpu.vector_store %arg4[%swap3A_713, %swap3A_714], %add3A_712 {strides = array<i32>} : memref<128x12800xf32, #tpu.memory_space<vmem>>, vector<128x128xf32>,
    %get3A_716 = arith.constant 0 : index
    %get3A_717 = arith.constant 5120 : index
    %get3A_718 = vector.load %arg1[%get3A_716, %get3A_717] : memref<128x12800xf32, #tpu.memory_space<vmem>>, vector<128x128xf32>
    %get3A_719 = arith.constant 40 : index
    %get3A_720 = arith.constant 0 : index
    %get3A_721 = arith.constant 0 : index
    %get3A_722 = vector.load %arg2[%get3A_719, %get3A_720, %get3A_721] : memref<100x128x128xf32, #tpu.memory_space<vmem>>, vector<1x128x128xf32>
    %get3A_723 = vector.shape_cast %get3A_722 : vector<1x128x128xf32> to vector<128x128xf32>
    %dot_general3A_724 = arith.constant dense<0.000000e+00> : vector<128x128xf32>
    %dot_general3A_725 = tpu.matmul %get3A_718, %get3A_723, %dot_general3A_724 {dimension_numbers = #tpu.dot_dimension_numbers<[1], [0], [0], [1], [0, 0, 1, 1], [], []>, transpose_lhs_hint = false} : vector<128x128xf32>, vector<128x128xf32>, vector<128x128xf32> -> vector<128x128xf32>
    %get3A_726 = arith.constant 0 : index
    %get3A_727 = arith.constant 5120 : index
    %get3A_728 = vector.load %arg3[%get3A_726, %get3A_727] : memref<1x12800xf32, #tpu.memory_space<vmem>>, vector<1x128xf32>
    %add3A_729 = vector.broadcast %get3A_728 : vector<1x128xf32> to vector<128x128xf32>
    %add3A_730 = arith.addf %dot_general3A_725, %add3A_729 : vector<128x128xf32>
    %swap3A_731 = arith.constant 0 : index
    %swap3A_732 = arith.constant 5120 : index
    %swap3A_733 = vector.load %arg4[%swap3A_731, %swap3A_732] : memref<128x12800xf32, #tpu.memory_space<vmem>>, vector<128x128xf32>
    tpu.vector_store %arg4[%swap3A_731, %swap3A_732], %add3A_730 {strides = array<i32>} : memref<128x12800xf32, #tpu.memory_space<vmem>>, vector<128x128xf32>,
    %get3A_734 = arith.constant 0 : index
    %get3A_735 = arith.constant 5248 : index
    %get3A_736 = vector.load %arg1[%get3A_734, %get3A_735] : memref<128x12800xf32, #tpu.memory_space<vmem>>, vector<128x128xf32>
    %get3A_737 = arith.constant 41 : index
    %get3A_738 = arith.constant 0 : index
    %get3A_739 = arith.constant 0 : index
    %get3A_740 = vector.load %arg2[%get3A_737, %get3A_738, %get3A_739] : memref<100x128x128xf32, #tpu.memory_space<vmem>>, vector<1x128x128xf32>
    %get3A_741 = vector.shape_cast %get3A_740 : vector<1x128x128xf32> to vector<128x128xf32>
    %dot_general3A_742 = arith.constant dense<0.000000e+00> : vector<128x128xf32>
    %dot_general3A_743 = tpu.matmul %get3A_736, %get3A_741, %dot_general3A_742 {dimension_numbers = #tpu.dot_dimension_numbers<[1], [0], [0], [1], [0, 0, 1, 1], [], []>, transpose_lhs_hint = false} : vector<128x128xf32>, vector<128x128xf32>, vector<128x128xf32> -> vector<128x128xf32>
    %get3A_744 = arith.constant 0 : index
    %get3A_745 = arith.constant 5248 : index
    %get3A_746 = vector.load %arg3[%get3A_744, %get3A_745] : memref<1x12800xf32, #tpu.memory_space<vmem>>, vector<1x128xf32>
    %add3A_747 = vector.broadcast %get3A_746 : vector<1x128xf32> to vector<128x128xf32>
    %add3A_748 = arith.addf %dot_general3A_743, %add3A_747 : vector<128x128xf32>
    %swap3A_749 = arith.constant 0 : index
    %swap3A_750 = arith.constant 5248 : index
    %swap3A_751 = vector.load %arg4[%swap3A_749, %swap3A_750] : memref<128x12800xf32, #tpu.memory_space<vmem>>, vector<128x128xf32>
    tpu.vector_store %arg4[%swap3A_749, %swap3A_750], %add3A_748 {strides = array<i32>} : memref<128x12800xf32, #tpu.memory_space<vmem>>, vector<128x128xf32>,
    %get3A_752 = arith.constant 0 : index
    %get3A_753 = arith.constant 5376 : index
    %get3A_754 = vector.load %arg1[%get3A_752, %get3A_753] : memref<128x12800xf32, #tpu.memory_space<vmem>>, vector<128x128xf32>
    %get3A_755 = arith.constant 42 : index
    %get3A_756 = arith.constant 0 : index
    %get3A_757 = arith.constant 0 : index
    %get3A_758 = vector.load %arg2[%get3A_755, %get3A_756, %get3A_757] : memref<100x128x128xf32, #tpu.memory_space<vmem>>, vector<1x128x128xf32>
    %get3A_759 = vector.shape_cast %get3A_758 : vector<1x128x128xf32> to vector<128x128xf32>
    %dot_general3A_760 = arith.constant dense<0.000000e+00> : vector<128x128xf32>
    %dot_general3A_761 = tpu.matmul %get3A_754, %get3A_759, %dot_general3A_760 {dimension_numbers = #tpu.dot_dimension_numbers<[1], [0], [0], [1], [0, 0, 1, 1], [], []>, transpose_lhs_hint = false} : vector<128x128xf32>, vector<128x128xf32>, vector<128x128xf32> -> vector<128x128xf32>
    %get3A_762 = arith.constant 0 : index
    %get3A_763 = arith.constant 5376 : index
    %get3A_764 = vector.load %arg3[%get3A_762, %get3A_763] : memref<1x12800xf32, #tpu.memory_space<vmem>>, vector<1x128xf32>
    %add3A_765 = vector.broadcast %get3A_764 : vector<1x128xf32> to vector<128x128xf32>
    %add3A_766 = arith.addf %dot_general3A_761, %add3A_765 : vector<128x128xf32>
    %swap3A_767 = arith.constant 0 : index
    %swap3A_768 = arith.constant 5376 : index
    %swap3A_769 = vector.load %arg4[%swap3A_767, %swap3A_768] : memref<128x12800xf32, #tpu.memory_space<vmem>>, vector<128x128xf32>
    tpu.vector_store %arg4[%swap3A_767, %swap3A_768], %add3A_766 {strides = array<i32>} : memref<128x12800xf32, #tpu.memory_space<vmem>>, vector<128x128xf32>,
    %get3A_770 = arith.constant 0 : index
    %get3A_771 = arith.constant 5504 : index
    %get3A_772 = vector.load %arg1[%get3A_770, %get3A_771] : memref<128x12800xf32, #tpu.memory_space<vmem>>, vector<128x128xf32>
    %get3A_773 = arith.constant 43 : index
    %get3A_774 = arith.constant 0 : index
    %get3A_775 = arith.constant 0 : index
    %get3A_776 = vector.load %arg2[%get3A_773, %get3A_774, %get3A_775] : memref<100x128x128xf32, #tpu.memory_space<vmem>>, vector<1x128x128xf32>
    %get3A_777 = vector.shape_cast %get3A_776 : vector<1x128x128xf32> to vector<128x128xf32>
    %dot_general3A_778 = arith.constant dense<0.000000e+00> : vector<128x128xf32>
    %dot_general3A_779 = tpu.matmul %get3A_772, %get3A_777, %dot_general3A_778 {dimension_numbers = #tpu.dot_dimension_numbers<[1], [0], [0], [1], [0, 0, 1, 1], [], []>, transpose_lhs_hint = false} : vector<128x128xf32>, vector<128x128xf32>, vector<128x128xf32> -> vector<128x128xf32>
    %get3A_780 = arith.constant 0 : index
    %get3A_781 = arith.constant 5504 : index
    %get3A_782 = vector.load %arg3[%get3A_780, %get3A_781] : memref<1x12800xf32, #tpu.memory_space<vmem>>, vector<1x128xf32>
    %add3A_783 = vector.broadcast %get3A_782 : vector<1x128xf32> to vector<128x128xf32>
    %add3A_784 = arith.addf %dot_general3A_779, %add3A_783 : vector<128x128xf32>
    %swap3A_785 = arith.constant 0 : index
    %swap3A_786 = arith.constant 5504 : index
    %swap3A_787 = vector.load %arg4[%swap3A_785, %swap3A_786] : memref<128x12800xf32, #tpu.memory_space<vmem>>, vector<128x128xf32>
    tpu.vector_store %arg4[%swap3A_785, %swap3A_786], %add3A_784 {strides = array<i32>} : memref<128x12800xf32, #tpu.memory_space<vmem>>, vector<128x128xf32>,
    %get3A_788 = arith.constant 0 : index
    %get3A_789 = arith.constant 5632 : index
    %get3A_790 = vector.load %arg1[%get3A_788, %get3A_789] : memref<128x12800xf32, #tpu.memory_space<vmem>>, vector<128x128xf32>
    %get3A_791 = arith.constant 44 : index
    %get3A_792 = arith.constant 0 : index
    %get3A_793 = arith.constant 0 : index
    %get3A_794 = vector.load %arg2[%get3A_791, %get3A_792, %get3A_793] : memref<100x128x128xf32, #tpu.memory_space<vmem>>, vector<1x128x128xf32>
    %get3A_795 = vector.shape_cast %get3A_794 : vector<1x128x128xf32> to vector<128x128xf32>
    %dot_general3A_796 = arith.constant dense<0.000000e+00> : vector<128x128xf32>
    %dot_general3A_797 = tpu.matmul %get3A_790, %get3A_795, %dot_general3A_796 {dimension_numbers = #tpu.dot_dimension_numbers<[1], [0], [0], [1], [0, 0, 1, 1], [], []>, transpose_lhs_hint = false} : vector<128x128xf32>, vector<128x128xf32>, vector<128x128xf32> -> vector<128x128xf32>
    %get3A_798 = arith.constant 0 : index
    %get3A_799 = arith.constant 5632 : index
    %get3A_800 = vector.load %arg3[%get3A_798, %get3A_799] : memref<1x12800xf32, #tpu.memory_space<vmem>>, vector<1x128xf32>
    %add3A_801 = vector.broadcast %get3A_800 : vector<1x128xf32> to vector<128x128xf32>
    %add3A_802 = arith.addf %dot_general3A_797, %add3A_801 : vector<128x128xf32>
    %swap3A_803 = arith.constant 0 : index
    %swap3A_804 = arith.constant 5632 : index
    %swap3A_805 = vector.load %arg4[%swap3A_803, %swap3A_804] : memref<128x12800xf32, #tpu.memory_space<vmem>>, vector<128x128xf32>
    tpu.vector_store %arg4[%swap3A_803, %swap3A_804], %add3A_802 {strides = array<i32>} : memref<128x12800xf32, #tpu.memory_space<vmem>>, vector<128x128xf32>,
    %get3A_806 = arith.constant 0 : index
    %get3A_807 = arith.constant 5760 : index
    %get3A_808 = vector.load %arg1[%get3A_806, %get3A_807] : memref<128x12800xf32, #tpu.memory_space<vmem>>, vector<128x128xf32>
    %get3A_809 = arith.constant 45 : index
    %get3A_810 = arith.constant 0 : index
    %get3A_811 = arith.constant 0 : index
    %get3A_812 = vector.load %arg2[%get3A_809, %get3A_810, %get3A_811] : memref<100x128x128xf32, #tpu.memory_space<vmem>>, vector<1x128x128xf32>
    %get3A_813 = vector.shape_cast %get3A_812 : vector<1x128x128xf32> to vector<128x128xf32>
    %dot_general3A_814 = arith.constant dense<0.000000e+00> : vector<128x128xf32>
    %dot_general3A_815 = tpu.matmul %get3A_808, %get3A_813, %dot_general3A_814 {dimension_numbers = #tpu.dot_dimension_numbers<[1], [0], [0], [1], [0, 0, 1, 1], [], []>, transpose_lhs_hint = false} : vector<128x128xf32>, vector<128x128xf32>, vector<128x128xf32> -> vector<128x128xf32>
    %get3A_816 = arith.constant 0 : index
    %get3A_817 = arith.constant 5760 : index
    %get3A_818 = vector.load %arg3[%get3A_816, %get3A_817] : memref<1x12800xf32, #tpu.memory_space<vmem>>, vector<1x128xf32>
    %add3A_819 = vector.broadcast %get3A_818 : vector<1x128xf32> to vector<128x128xf32>
    %add3A_820 = arith.addf %dot_general3A_815, %add3A_819 : vector<128x128xf32>
    %swap3A_821 = arith.constant 0 : index
    %swap3A_822 = arith.constant 5760 : index
    %swap3A_823 = vector.load %arg4[%swap3A_821, %swap3A_822] : memref<128x12800xf32, #tpu.memory_space<vmem>>, vector<128x128xf32>
    tpu.vector_store %arg4[%swap3A_821, %swap3A_822], %add3A_820 {strides = array<i32>} : memref<128x12800xf32, #tpu.memory_space<vmem>>, vector<128x128xf32>,
    %get3A_824 = arith.constant 0 : index
    %get3A_825 = arith.constant 5888 : index
    %get3A_826 = vector.load %arg1[%get3A_824, %get3A_825] : memref<128x12800xf32, #tpu.memory_space<vmem>>, vector<128x128xf32>
    %get3A_827 = arith.constant 46 : index
    %get3A_828 = arith.constant 0 : index
    %get3A_829 = arith.constant 0 : index
    %get3A_830 = vector.load %arg2[%get3A_827, %get3A_828, %get3A_829] : memref<100x128x128xf32, #tpu.memory_space<vmem>>, vector<1x128x128xf32>
    %get3A_831 = vector.shape_cast %get3A_830 : vector<1x128x128xf32> to vector<128x128xf32>
    %dot_general3A_832 = arith.constant dense<0.000000e+00> : vector<128x128xf32>
    %dot_general3A_833 = tpu.matmul %get3A_826, %get3A_831, %dot_general3A_832 {dimension_numbers = #tpu.dot_dimension_numbers<[1], [0], [0], [1], [0, 0, 1, 1], [], []>, transpose_lhs_hint = false} : vector<128x128xf32>, vector<128x128xf32>, vector<128x128xf32> -> vector<128x128xf32>
    %get3A_834 = arith.constant 0 : index
    %get3A_835 = arith.constant 5888 : index
    %get3A_836 = vector.load %arg3[%get3A_834, %get3A_835] : memref<1x12800xf32, #tpu.memory_space<vmem>>, vector<1x128xf32>
    %add3A_837 = vector.broadcast %get3A_836 : vector<1x128xf32> to vector<128x128xf32>
    %add3A_838 = arith.addf %dot_general3A_833, %add3A_837 : vector<128x128xf32>
    %swap3A_839 = arith.constant 0 : index
    %swap3A_840 = arith.constant 5888 : index
    %swap3A_841 = vector.load %arg4[%swap3A_839, %swap3A_840] : memref<128x12800xf32, #tpu.memory_space<vmem>>, vector<128x128xf32>
    tpu.vector_store %arg4[%swap3A_839, %swap3A_840], %add3A_838 {strides = array<i32>} : memref<128x12800xf32, #tpu.memory_space<vmem>>, vector<128x128xf32>,
    %get3A_842 = arith.constant 0 : index
    %get3A_843 = arith.constant 6016 : index
    %get3A_844 = vector.load %arg1[%get3A_842, %get3A_843] : memref<128x12800xf32, #tpu.memory_space<vmem>>, vector<128x128xf32>
    %get3A_845 = arith.constant 47 : index
    %get3A_846 = arith.constant 0 : index
    %get3A_847 = arith.constant 0 : index
    %get3A_848 = vector.load %arg2[%get3A_845, %get3A_846, %get3A_847] : memref<100x128x128xf32, #tpu.memory_space<vmem>>, vector<1x128x128xf32>
    %get3A_849 = vector.shape_cast %get3A_848 : vector<1x128x128xf32> to vector<128x128xf32>
    %dot_general3A_850 = arith.constant dense<0.000000e+00> : vector<128x128xf32>
    %dot_general3A_851 = tpu.matmul %get3A_844, %get3A_849, %dot_general3A_850 {dimension_numbers = #tpu.dot_dimension_numbers<[1], [0], [0], [1], [0, 0, 1, 1], [], []>, transpose_lhs_hint = false} : vector<128x128xf32>, vector<128x128xf32>, vector<128x128xf32> -> vector<128x128xf32>
    %get3A_852 = arith.constant 0 : index
    %get3A_853 = arith.constant 6016 : index
    %get3A_854 = vector.load %arg3[%get3A_852, %get3A_853] : memref<1x12800xf32, #tpu.memory_space<vmem>>, vector<1x128xf32>
    %add3A_855 = vector.broadcast %get3A_854 : vector<1x128xf32> to vector<128x128xf32>
    %add3A_856 = arith.addf %dot_general3A_851, %add3A_855 : vector<128x128xf32>
    %swap3A_857 = arith.constant 0 : index
    %swap3A_858 = arith.constant 6016 : index
    %swap3A_859 = vector.load %arg4[%swap3A_857, %swap3A_858] : memref<128x12800xf32, #tpu.memory_space<vmem>>, vector<128x128xf32>
    tpu.vector_store %arg4[%swap3A_857, %swap3A_858], %add3A_856 {strides = array<i32>} : memref<128x12800xf32, #tpu.memory_space<vmem>>, vector<128x128xf32>,
    %get3A_860 = arith.constant 0 : index
    %get3A_861 = arith.constant 6144 : index
    %get3A_862 = vector.load %arg1[%get3A_860, %get3A_861] : memref<128x12800xf32, #tpu.memory_space<vmem>>, vector<128x128xf32>
    %get3A_863 = arith.constant 48 : index
    %get3A_864 = arith.constant 0 : index
    %get3A_865 = arith.constant 0 : index
    %get3A_866 = vector.load %arg2[%get3A_863, %get3A_864, %get3A_865] : memref<100x128x128xf32, #tpu.memory_space<vmem>>, vector<1x128x128xf32>
    %get3A_867 = vector.shape_cast %get3A_866 : vector<1x128x128xf32> to vector<128x128xf32>
    %dot_general3A_868 = arith.constant dense<0.000000e+00> : vector<128x128xf32>
    %dot_general3A_869 = tpu.matmul %get3A_862, %get3A_867, %dot_general3A_868 {dimension_numbers = #tpu.dot_dimension_numbers<[1], [0], [0], [1], [0, 0, 1, 1], [], []>, transpose_lhs_hint = false} : vector<128x128xf32>, vector<128x128xf32>, vector<128x128xf32> -> vector<128x128xf32>
    %get3A_870 = arith.constant 0 : index
    %get3A_871 = arith.constant 6144 : index
    %get3A_872 = vector.load %arg3[%get3A_870, %get3A_871] : memref<1x12800xf32, #tpu.memory_space<vmem>>, vector<1x128xf32>
    %add3A_873 = vector.broadcast %get3A_872 : vector<1x128xf32> to vector<128x128xf32>
    %add3A_874 = arith.addf %dot_general3A_869, %add3A_873 : vector<128x128xf32>
    %swap3A_875 = arith.constant 0 : index
    %swap3A_876 = arith.constant 6144 : index
    %swap3A_877 = vector.load %arg4[%swap3A_875, %swap3A_876] : memref<128x12800xf32, #tpu.memory_space<vmem>>, vector<128x128xf32>
    tpu.vector_store %arg4[%swap3A_875, %swap3A_876], %add3A_874 {strides = array<i32>} : memref<128x12800xf32, #tpu.memory_space<vmem>>, vector<128x128xf32>,
    %get3A_878 = arith.constant 0 : index
    %get3A_879 = arith.constant 6272 : index
    %get3A_880 = vector.load %arg1[%get3A_878, %get3A_879] : memref<128x12800xf32, #tpu.memory_space<vmem>>, vector<128x128xf32>
    %get3A_881 = arith.constant 49 : index
    %get3A_882 = arith.constant 0 : index
    %get3A_883 = arith.constant 0 : index
    %get3A_884 = vector.load %arg2[%get3A_881, %get3A_882, %get3A_883] : memref<100x128x128xf32, #tpu.memory_space<vmem>>, vector<1x128x128xf32>
    %get3A_885 = vector.shape_cast %get3A_884 : vector<1x128x128xf32> to vector<128x128xf32>
    %dot_general3A_886 = arith.constant dense<0.000000e+00> : vector<128x128xf32>
    %dot_general3A_887 = tpu.matmul %get3A_880, %get3A_885, %dot_general3A_886 {dimension_numbers = #tpu.dot_dimension_numbers<[1], [0], [0], [1], [0, 0, 1, 1], [], []>, transpose_lhs_hint = false} : vector<128x128xf32>, vector<128x128xf32>, vector<128x128xf32> -> vector<128x128xf32>
    %get3A_888 = arith.constant 0 : index
    %get3A_889 = arith.constant 6272 : index
    %get3A_890 = vector.load %arg3[%get3A_888, %get3A_889] : memref<1x12800xf32, #tpu.memory_space<vmem>>, vector<1x128xf32>
    %add3A_891 = vector.broadcast %get3A_890 : vector<1x128xf32> to vector<128x128xf32>
    %add3A_892 = arith.addf %dot_general3A_887, %add3A_891 : vector<128x128xf32>
    %swap3A_893 = arith.constant 0 : index
    %swap3A_894 = arith.constant 6272 : index
    %swap3A_895 = vector.load %arg4[%swap3A_893, %swap3A_894] : memref<128x12800xf32, #tpu.memory_space<vmem>>, vector<128x128xf32>
    tpu.vector_store %arg4[%swap3A_893, %swap3A_894], %add3A_892 {strides = array<i32>} : memref<128x12800xf32, #tpu.memory_space<vmem>>, vector<128x128xf32>,
    %get3A_896 = arith.constant 0 : index
    %get3A_897 = arith.constant 6400 : index
    %get3A_898 = vector.load %arg1[%get3A_896, %get3A_897] : memref<128x12800xf32, #tpu.memory_space<vmem>>, vector<128x128xf32>
    %get3A_899 = arith.constant 50 : index
    %get3A_900 = arith.constant 0 : index
    %get3A_901 = arith.constant 0 : index
    %get3A_902 = vector.load %arg2[%get3A_899, %get3A_900, %get3A_901] : memref<100x128x128xf32, #tpu.memory_space<vmem>>, vector<1x128x128xf32>
    %get3A_903 = vector.shape_cast %get3A_902 : vector<1x128x128xf32> to vector<128x128xf32>
    %dot_general3A_904 = arith.constant dense<0.000000e+00> : vector<128x128xf32>
    %dot_general3A_905 = tpu.matmul %get3A_898, %get3A_903, %dot_general3A_904 {dimension_numbers = #tpu.dot_dimension_numbers<[1], [0], [0], [1], [0, 0, 1, 1], [], []>, transpose_lhs_hint = false} : vector<128x128xf32>, vector<128x128xf32>, vector<128x128xf32> -> vector<128x128xf32>
    %get3A_906 = arith.constant 0 : index
    %get3A_907 = arith.constant 6400 : index
    %get3A_908 = vector.load %arg3[%get3A_906, %get3A_907] : memref<1x12800xf32, #tpu.memory_space<vmem>>, vector<1x128xf32>
    %add3A_909 = vector.broadcast %get3A_908 : vector<1x128xf32> to vector<128x128xf32>
    %add3A_910 = arith.addf %dot_general3A_905, %add3A_909 : vector<128x128xf32>
    %swap3A_911 = arith.constant 0 : index
    %swap3A_912 = arith.constant 6400 : index
    %swap3A_913 = vector.load %arg4[%swap3A_911, %swap3A_912] : memref<128x12800xf32, #tpu.memory_space<vmem>>, vector<128x128xf32>
    tpu.vector_store %arg4[%swap3A_911, %swap3A_912], %add3A_910 {strides = array<i32>} : memref<128x12800xf32, #tpu.memory_space<vmem>>, vector<128x128xf32>,
    %get3A_914 = arith.constant 0 : index
    %get3A_915 = arith.constant 6528 : index
    %get3A_916 = vector.load %arg1[%get3A_914, %get3A_915] : memref<128x12800xf32, #tpu.memory_space<vmem>>, vector<128x128xf32>
    %get3A_917 = arith.constant 51 : index
    %get3A_918 = arith.constant 0 : index
    %get3A_919 = arith.constant 0 : index
    %get3A_920 = vector.load %arg2[%get3A_917, %get3A_918, %get3A_919] : memref<100x128x128xf32, #tpu.memory_space<vmem>>, vector<1x128x128xf32>
    %get3A_921 = vector.shape_cast %get3A_920 : vector<1x128x128xf32> to vector<128x128xf32>
    %dot_general3A_922 = arith.constant dense<0.000000e+00> : vector<128x128xf32>
    %dot_general3A_923 = tpu.matmul %get3A_916, %get3A_921, %dot_general3A_922 {dimension_numbers = #tpu.dot_dimension_numbers<[1], [0], [0], [1], [0, 0, 1, 1], [], []>, transpose_lhs_hint = false} : vector<128x128xf32>, vector<128x128xf32>, vector<128x128xf32> -> vector<128x128xf32>
    %get3A_924 = arith.constant 0 : index
    %get3A_925 = arith.constant 6528 : index
    %get3A_926 = vector.load %arg3[%get3A_924, %get3A_925] : memref<1x12800xf32, #tpu.memory_space<vmem>>, vector<1x128xf32>
    %add3A_927 = vector.broadcast %get3A_926 : vector<1x128xf32> to vector<128x128xf32>
    %add3A_928 = arith.addf %dot_general3A_923, %add3A_927 : vector<128x128xf32>
    %swap3A_929 = arith.constant 0 : index
    %swap3A_930 = arith.constant 6528 : index
    %swap3A_931 = vector.load %arg4[%swap3A_929, %swap3A_930] : memref<128x12800xf32, #tpu.memory_space<vmem>>, vector<128x128xf32>
    tpu.vector_store %arg4[%swap3A_929, %swap3A_930], %add3A_928 {strides = array<i32>} : memref<128x12800xf32, #tpu.memory_space<vmem>>, vector<128x128xf32>,
    %get3A_932 = arith.constant 0 : index
    %get3A_933 = arith.constant 6656 : index
    %get3A_934 = vector.load %arg1[%get3A_932, %get3A_933] : memref<128x12800xf32, #tpu.memory_space<vmem>>, vector<128x128xf32>
    %get3A_935 = arith.constant 52 : index
    %get3A_936 = arith.constant 0 : index
    %get3A_937 = arith.constant 0 : index
    %get3A_938 = vector.load %arg2[%get3A_935, %get3A_936, %get3A_937] : memref<100x128x128xf32, #tpu.memory_space<vmem>>, vector<1x128x128xf32>
    %get3A_939 = vector.shape_cast %get3A_938 : vector<1x128x128xf32> to vector<128x128xf32>
    %dot_general3A_940 = arith.constant dense<0.000000e+00> : vector<128x128xf32>
    %dot_general3A_941 = tpu.matmul %get3A_934, %get3A_939, %dot_general3A_940 {dimension_numbers = #tpu.dot_dimension_numbers<[1], [0], [0], [1], [0, 0, 1, 1], [], []>, transpose_lhs_hint = false} : vector<128x128xf32>, vector<128x128xf32>, vector<128x128xf32> -> vector<128x128xf32>
    %get3A_942 = arith.constant 0 : index
    %get3A_943 = arith.constant 6656 : index
    %get3A_944 = vector.load %arg3[%get3A_942, %get3A_943] : memref<1x12800xf32, #tpu.memory_space<vmem>>, vector<1x128xf32>
    %add3A_945 = vector.broadcast %get3A_944 : vector<1x128xf32> to vector<128x128xf32>
    %add3A_946 = arith.addf %dot_general3A_941, %add3A_945 : vector<128x128xf32>
    %swap3A_947 = arith.constant 0 : index
    %swap3A_948 = arith.constant 6656 : index
    %swap3A_949 = vector.load %arg4[%swap3A_947, %swap3A_948] : memref<128x12800xf32, #tpu.memory_space<vmem>>, vector<128x128xf32>
    tpu.vector_store %arg4[%swap3A_947, %swap3A_948], %add3A_946 {strides = array<i32>} : memref<128x12800xf32, #tpu.memory_space<vmem>>, vector<128x128xf32>,
    %get3A_950 = arith.constant 0 : index
    %get3A_951 = arith.constant 6784 : index
    %get3A_952 = vector.load %arg1[%get3A_950, %get3A_951] : memref<128x12800xf32, #tpu.memory_space<vmem>>, vector<128x128xf32>
    %get3A_953 = arith.constant 53 : index
    %get3A_954 = arith.constant 0 : index
    %get3A_955 = arith.constant 0 : index
    %get3A_956 = vector.load %arg2[%get3A_953, %get3A_954, %get3A_955] : memref<100x128x128xf32, #tpu.memory_space<vmem>>, vector<1x128x128xf32>
    %get3A_957 = vector.shape_cast %get3A_956 : vector<1x128x128xf32> to vector<128x128xf32>
    %dot_general3A_958 = arith.constant dense<0.000000e+00> : vector<128x128xf32>
    %dot_general3A_959 = tpu.matmul %get3A_952, %get3A_957, %dot_general3A_958 {dimension_numbers = #tpu.dot_dimension_numbers<[1], [0], [0], [1], [0, 0, 1, 1], [], []>, transpose_lhs_hint = false} : vector<128x128xf32>, vector<128x128xf32>, vector<128x128xf32> -> vector<128x128xf32>
    %get3A_960 = arith.constant 0 : index
    %get3A_961 = arith.constant 6784 : index
    %get3A_962 = vector.load %arg3[%get3A_960, %get3A_961] : memref<1x12800xf32, #tpu.memory_space<vmem>>, vector<1x128xf32>
    %add3A_963 = vector.broadcast %get3A_962 : vector<1x128xf32> to vector<128x128xf32>
    %add3A_964 = arith.addf %dot_general3A_959, %add3A_963 : vector<128x128xf32>
    %swap3A_965 = arith.constant 0 : index
    %swap3A_966 = arith.constant 6784 : index
    %swap3A_967 = vector.load %arg4[%swap3A_965, %swap3A_966] : memref<128x12800xf32, #tpu.memory_space<vmem>>, vector<128x128xf32>
    tpu.vector_store %arg4[%swap3A_965, %swap3A_966], %add3A_964 {strides = array<i32>} : memref<128x12800xf32, #tpu.memory_space<vmem>>, vector<128x128xf32>,
    %get3A_968 = arith.constant 0 : index
    %get3A_969 = arith.constant 6912 : index
    %get3A_970 = vector.load %arg1[%get3A_968, %get3A_969] : memref<128x12800xf32, #tpu.memory_space<vmem>>, vector<128x128xf32>
    %get3A_971 = arith.constant 54 : index
    %get3A_972 = arith.constant 0 : index
    %get3A_973 = arith.constant 0 : index
    %get3A_974 = vector.load %arg2[%get3A_971, %get3A_972, %get3A_973] : memref<100x128x128xf32, #tpu.memory_space<vmem>>, vector<1x128x128xf32>
    %get3A_975 = vector.shape_cast %get3A_974 : vector<1x128x128xf32> to vector<128x128xf32>
    %dot_general3A_976 = arith.constant dense<0.000000e+00> : vector<128x128xf32>
    %dot_general3A_977 = tpu.matmul %get3A_970, %get3A_975, %dot_general3A_976 {dimension_numbers = #tpu.dot_dimension_numbers<[1], [0], [0], [1], [0, 0, 1, 1], [], []>, transpose_lhs_hint = false} : vector<128x128xf32>, vector<128x128xf32>, vector<128x128xf32> -> vector<128x128xf32>
    %get3A_978 = arith.constant 0 : index
    %get3A_979 = arith.constant 6912 : index
    %get3A_980 = vector.load %arg3[%get3A_978, %get3A_979] : memref<1x12800xf32, #tpu.memory_space<vmem>>, vector<1x128xf32>
    %add3A_981 = vector.broadcast %get3A_980 : vector<1x128xf32> to vector<128x128xf32>
    %add3A_982 = arith.addf %dot_general3A_977, %add3A_981 : vector<128x128xf32>
    %swap3A_983 = arith.constant 0 : index
    %swap3A_984 = arith.constant 6912 : index
    %swap3A_985 = vector.load %arg4[%swap3A_983, %swap3A_984] : memref<128x12800xf32, #tpu.memory_space<vmem>>, vector<128x128xf32>
    tpu.vector_store %arg4[%swap3A_983, %swap3A_984], %add3A_982 {strides = array<i32>} : memref<128x12800xf32, #tpu.memory_space<vmem>>, vector<128x128xf32>,
    %get3A_986 = arith.constant 0 : index
    %get3A_987 = arith.constant 7040 : index
    %get3A_988 = vector.load %arg1[%get3A_986, %get3A_987] : memref<128x12800xf32, #tpu.memory_space<vmem>>, vector<128x128xf32>
    %get3A_989 = arith.constant 55 : index
    %get3A_990 = arith.constant 0 : index
    %get3A_991 = arith.constant 0 : index
    %get3A_992 = vector.load %arg2[%get3A_989, %get3A_990, %get3A_991] : memref<100x128x128xf32, #tpu.memory_space<vmem>>, vector<1x128x128xf32>
    %get3A_993 = vector.shape_cast %get3A_992 : vector<1x128x128xf32> to vector<128x128xf32>
    %dot_general3A_994 = arith.constant dense<0.000000e+00> : vector<128x128xf32>
    %dot_general3A_995 = tpu.matmul %get3A_988, %get3A_993, %dot_general3A_994 {dimension_numbers = #tpu.dot_dimension_numbers<[1], [0], [0], [1], [0, 0, 1, 1], [], []>, transpose_lhs_hint = false} : vector<128x128xf32>, vector<128x128xf32>, vector<128x128xf32> -> vector<128x128xf32>
    %get3A_996 = arith.constant 0 : index
    %get3A_997 = arith.constant 7040 : index
    %get3A_998 = vector.load %arg3[%get3A_996, %get3A_997] : memref<1x12800xf32, #tpu.memory_space<vmem>>, vector<1x128xf32>
    %add3A_999 = vector.broadcast %get3A_998 : vector<1x128xf32> to vector<128x128xf32>
    %add3A_1000 = arith.addf %dot_general3A_995, %add3A_999 : vector<128x128xf32>
    %swap3A_1001 = arith.constant 0 : index
    %swap3A_1002 = arith.constant 7040 : index
    %swap3A_1003 = vector.load %arg4[%swap3A_1001, %swap3A_1002] : memref<128x12800xf32, #tpu.memory_space<vmem>>, vector<128x128xf32>
    tpu.vector_store %arg4[%swap3A_1001, %swap3A_1002], %add3A_1000 {strides = array<i32>} : memref<128x12800xf32, #tpu.memory_space<vmem>>, vector<128x128xf32>,
    %get3A_1004 = arith.constant 0 : index
    %get3A_1005 = arith.constant 7168 : index
    %get3A_1006 = vector.load %arg1[%get3A_1004, %get3A_1005] : memref<128x12800xf32, #tpu.memory_space<vmem>>, vector<128x128xf32>
    %get3A_1007 = arith.constant 56 : index
    %get3A_1008 = arith.constant 0 : index
    %get3A_1009 = arith.constant 0 : index
    %get3A_1010 = vector.load %arg2[%get3A_1007, %get3A_1008, %get3A_1009] : memref<100x128x128xf32, #tpu.memory_space<vmem>>, vector<1x128x128xf32>
    %get3A_1011 = vector.shape_cast %get3A_1010 : vector<1x128x128xf32> to vector<128x128xf32>
    %dot_general3A_1012 = arith.constant dense<0.000000e+00> : vector<128x128xf32>
    %dot_general3A_1013 = tpu.matmul %get3A_1006, %get3A_1011, %dot_general3A_1012 {dimension_numbers = #tpu.dot_dimension_numbers<[1], [0], [0], [1], [0, 0, 1, 1], [], []>, transpose_lhs_hint = false} : vector<128x128xf32>, vector<128x128xf32>, vector<128x128xf32> -> vector<128x128xf32>
    %get3A_1014 = arith.constant 0 : index
    %get3A_1015 = arith.constant 7168 : index
    %get3A_1016 = vector.load %arg3[%get3A_1014, %get3A_1015] : memref<1x12800xf32, #tpu.memory_space<vmem>>, vector<1x128xf32>
    %add3A_1017 = vector.broadcast %get3A_1016 : vector<1x128xf32> to vector<128x128xf32>
    %add3A_1018 = arith.addf %dot_general3A_1013, %add3A_1017 : vector<128x128xf32>
    %swap3A_1019 = arith.constant 0 : index
    %swap3A_1020 = arith.constant 7168 : index
    %swap3A_1021 = vector.load %arg4[%swap3A_1019, %swap3A_1020] : memref<128x12800xf32, #tpu.memory_space<vmem>>, vector<128x128xf32>
    tpu.vector_store %arg4[%swap3A_1019, %swap3A_1020], %add3A_1018 {strides = array<i32>} : memref<128x12800xf32, #tpu.memory_space<vmem>>, vector<128x128xf32>,
    %get3A_1022 = arith.constant 0 : index
    %get3A_1023 = arith.constant 7296 : index
    %get3A_1024 = vector.load %arg1[%get3A_1022, %get3A_1023] : memref<128x12800xf32, #tpu.memory_space<vmem>>, vector<128x128xf32>
    %get3A_1025 = arith.constant 57 : index
    %get3A_1026 = arith.constant 0 : index
    %get3A_1027 = arith.constant 0 : index
    %get3A_1028 = vector.load %arg2[%get3A_1025, %get3A_1026, %get3A_1027] : memref<100x128x128xf32, #tpu.memory_space<vmem>>, vector<1x128x128xf32>
    %get3A_1029 = vector.shape_cast %get3A_1028 : vector<1x128x128xf32> to vector<128x128xf32>
    %dot_general3A_1030 = arith.constant dense<0.000000e+00> : vector<128x128xf32>
    %dot_general3A_1031 = tpu.matmul %get3A_1024, %get3A_1029, %dot_general3A_1030 {dimension_numbers = #tpu.dot_dimension_numbers<[1], [0], [0], [1], [0, 0, 1, 1], [], []>, transpose_lhs_hint = false} : vector<128x128xf32>, vector<128x128xf32>, vector<128x128xf32> -> vector<128x128xf32>
    %get3A_1032 = arith.constant 0 : index
    %get3A_1033 = arith.constant 7296 : index
    %get3A_1034 = vector.load %arg3[%get3A_1032, %get3A_1033] : memref<1x12800xf32, #tpu.memory_space<vmem>>, vector<1x128xf32>
    %add3A_1035 = vector.broadcast %get3A_1034 : vector<1x128xf32> to vector<128x128xf32>
    %add3A_1036 = arith.addf %dot_general3A_1031, %add3A_1035 : vector<128x128xf32>
    %swap3A_1037 = arith.constant 0 : index
    %swap3A_1038 = arith.constant 7296 : index
    %swap3A_1039 = vector.load %arg4[%swap3A_1037, %swap3A_1038] : memref<128x12800xf32, #tpu.memory_space<vmem>>, vector<128x128xf32>
    tpu.vector_store %arg4[%swap3A_1037, %swap3A_1038], %add3A_1036 {strides = array<i32>} : memref<128x12800xf32, #tpu.memory_space<vmem>>, vector<128x128xf32>,
    %get3A_1040 = arith.constant 0 : index
    %get3A_1041 = arith.constant 7424 : index
    %get3A_1042 = vector.load %arg1[%get3A_1040, %get3A_1041] : memref<128x12800xf32, #tpu.memory_space<vmem>>, vector<128x128xf32>
    %get3A_1043 = arith.constant 58 : index
    %get3A_1044 = arith.constant 0 : index
    %get3A_1045 = arith.constant 0 : index
    %get3A_1046 = vector.load %arg2[%get3A_1043, %get3A_1044, %get3A_1045] : memref<100x128x128xf32, #tpu.memory_space<vmem>>, vector<1x128x128xf32>
    %get3A_1047 = vector.shape_cast %get3A_1046 : vector<1x128x128xf32> to vector<128x128xf32>
    %dot_general3A_1048 = arith.constant dense<0.000000e+00> : vector<128x128xf32>
    %dot_general3A_1049 = tpu.matmul %get3A_1042, %get3A_1047, %dot_general3A_1048 {dimension_numbers = #tpu.dot_dimension_numbers<[1], [0], [0], [1], [0, 0, 1, 1], [], []>, transpose_lhs_hint = false} : vector<128x128xf32>, vector<128x128xf32>, vector<128x128xf32> -> vector<128x128xf32>
    %get3A_1050 = arith.constant 0 : index
    %get3A_1051 = arith.constant 7424 : index
    %get3A_1052 = vector.load %arg3[%get3A_1050, %get3A_1051] : memref<1x12800xf32, #tpu.memory_space<vmem>>, vector<1x128xf32>
    %add3A_1053 = vector.broadcast %get3A_1052 : vector<1x128xf32> to vector<128x128xf32>
    %add3A_1054 = arith.addf %dot_general3A_1049, %add3A_1053 : vector<128x128xf32>
    %swap3A_1055 = arith.constant 0 : index
    %swap3A_1056 = arith.constant 7424 : index
    %swap3A_1057 = vector.load %arg4[%swap3A_1055, %swap3A_1056] : memref<128x12800xf32, #tpu.memory_space<vmem>>, vector<128x128xf32>
    tpu.vector_store %arg4[%swap3A_1055, %swap3A_1056], %add3A_1054 {strides = array<i32>} : memref<128x12800xf32, #tpu.memory_space<vmem>>, vector<128x128xf32>,
    %get3A_1058 = arith.constant 0 : index
    %get3A_1059 = arith.constant 7552 : index
    %get3A_1060 = vector.load %arg1[%get3A_1058, %get3A_1059] : memref<128x12800xf32, #tpu.memory_space<vmem>>, vector<128x128xf32>
    %get3A_1061 = arith.constant 59 : index
    %get3A_1062 = arith.constant 0 : index
    %get3A_1063 = arith.constant 0 : index
    %get3A_1064 = vector.load %arg2[%get3A_1061, %get3A_1062, %get3A_1063] : memref<100x128x128xf32, #tpu.memory_space<vmem>>, vector<1x128x128xf32>
    %get3A_1065 = vector.shape_cast %get3A_1064 : vector<1x128x128xf32> to vector<128x128xf32>
    %dot_general3A_1066 = arith.constant dense<0.000000e+00> : vector<128x128xf32>
    %dot_general3A_1067 = tpu.matmul %get3A_1060, %get3A_1065, %dot_general3A_1066 {dimension_numbers = #tpu.dot_dimension_numbers<[1], [0], [0], [1], [0, 0, 1, 1], [], []>, transpose_lhs_hint = false} : vector<128x128xf32>, vector<128x128xf32>, vector<128x128xf32> -> vector<128x128xf32>
    %get3A_1068 = arith.constant 0 : index
    %get3A_1069 = arith.constant 7552 : index
    %get3A_1070 = vector.load %arg3[%get3A_1068, %get3A_1069] : memref<1x12800xf32, #tpu.memory_space<vmem>>, vector<1x128xf32>
    %add3A_1071 = vector.broadcast %get3A_1070 : vector<1x128xf32> to vector<128x128xf32>
    %add3A_1072 = arith.addf %dot_general3A_1067, %add3A_1071 : vector<128x128xf32>
    %swap3A_1073 = arith.constant 0 : index
    %swap3A_1074 = arith.constant 7552 : index
    %swap3A_1075 = vector.load %arg4[%swap3A_1073, %swap3A_1074] : memref<128x12800xf32, #tpu.memory_space<vmem>>, vector<128x128xf32>
    tpu.vector_store %arg4[%swap3A_1073, %swap3A_1074], %add3A_1072 {strides = array<i32>} : memref<128x12800xf32, #tpu.memory_space<vmem>>, vector<128x128xf32>,
    %get3A_1076 = arith.constant 0 : index
    %get3A_1077 = arith.constant 7680 : index
    %get3A_1078 = vector.load %arg1[%get3A_1076, %get3A_1077] : memref<128x12800xf32, #tpu.memory_space<vmem>>, vector<128x128xf32>
    %get3A_1079 = arith.constant 60 : index
    %get3A_1080 = arith.constant 0 : index
    %get3A_1081 = arith.constant 0 : index
    %get3A_1082 = vector.load %arg2[%get3A_1079, %get3A_1080, %get3A_1081] : memref<100x128x128xf32, #tpu.memory_space<vmem>>, vector<1x128x128xf32>
    %get3A_1083 = vector.shape_cast %get3A_1082 : vector<1x128x128xf32> to vector<128x128xf32>
    %dot_general3A_1084 = arith.constant dense<0.000000e+00> : vector<128x128xf32>
    %dot_general3A_1085 = tpu.matmul %get3A_1078, %get3A_1083, %dot_general3A_1084 {dimension_numbers = #tpu.dot_dimension_numbers<[1], [0], [0], [1], [0, 0, 1, 1], [], []>, transpose_lhs_hint = false} : vector<128x128xf32>, vector<128x128xf32>, vector<128x128xf32> -> vector<128x128xf32>
    %get3A_1086 = arith.constant 0 : index
    %get3A_1087 = arith.constant 7680 : index
    %get3A_1088 = vector.load %arg3[%get3A_1086, %get3A_1087] : memref<1x12800xf32, #tpu.memory_space<vmem>>, vector<1x128xf32>
    %add3A_1089 = vector.broadcast %get3A_1088 : vector<1x128xf32> to vector<128x128xf32>
    %add3A_1090 = arith.addf %dot_general3A_1085, %add3A_1089 : vector<128x128xf32>
    %swap3A_1091 = arith.constant 0 : index
    %swap3A_1092 = arith.constant 7680 : index
    %swap3A_1093 = vector.load %arg4[%swap3A_1091, %swap3A_1092] : memref<128x12800xf32, #tpu.memory_space<vmem>>, vector<128x128xf32>
    tpu.vector_store %arg4[%swap3A_1091, %swap3A_1092], %add3A_1090 {strides = array<i32>} : memref<128x12800xf32, #tpu.memory_space<vmem>>, vector<128x128xf32>,
    %get3A_1094 = arith.constant 0 : index
    %get3A_1095 = arith.constant 7808 : index
    %get3A_1096 = vector.load %arg1[%get3A_1094, %get3A_1095] : memref<128x12800xf32, #tpu.memory_space<vmem>>, vector<128x128xf32>
    %get3A_1097 = arith.constant 61 : index
    %get3A_1098 = arith.constant 0 : index
    %get3A_1099 = arith.constant 0 : index
    %get3A_1100 = vector.load %arg2[%get3A_1097, %get3A_1098, %get3A_1099] : memref<100x128x128xf32, #tpu.memory_space<vmem>>, vector<1x128x128xf32>
    %get3A_1101 = vector.shape_cast %get3A_1100 : vector<1x128x128xf32> to vector<128x128xf32>
    %dot_general3A_1102 = arith.constant dense<0.000000e+00> : vector<128x128xf32>
    %dot_general3A_1103 = tpu.matmul %get3A_1096, %get3A_1101, %dot_general3A_1102 {dimension_numbers = #tpu.dot_dimension_numbers<[1], [0], [0], [1], [0, 0, 1, 1], [], []>, transpose_lhs_hint = false} : vector<128x128xf32>, vector<128x128xf32>, vector<128x128xf32> -> vector<128x128xf32>
    %get3A_1104 = arith.constant 0 : index
    %get3A_1105 = arith.constant 7808 : index
    %get3A_1106 = vector.load %arg3[%get3A_1104, %get3A_1105] : memref<1x12800xf32, #tpu.memory_space<vmem>>, vector<1x128xf32>
    %add3A_1107 = vector.broadcast %get3A_1106 : vector<1x128xf32> to vector<128x128xf32>
    %add3A_1108 = arith.addf %dot_general3A_1103, %add3A_1107 : vector<128x128xf32>
    %swap3A_1109 = arith.constant 0 : index
    %swap3A_1110 = arith.constant 7808 : index
    %swap3A_1111 = vector.load %arg4[%swap3A_1109, %swap3A_1110] : memref<128x12800xf32, #tpu.memory_space<vmem>>, vector<128x128xf32>
    tpu.vector_store %arg4[%swap3A_1109, %swap3A_1110], %add3A_1108 {strides = array<i32>} : memref<128x12800xf32, #tpu.memory_space<vmem>>, vector<128x128xf32>,
    %get3A_1112 = arith.constant 0 : index
    %get3A_1113 = arith.constant 7936 : index
    %get3A_1114 = vector.load %arg1[%get3A_1112, %get3A_1113] : memref<128x12800xf32, #tpu.memory_space<vmem>>, vector<128x128xf32>
    %get3A_1115 = arith.constant 62 : index
    %get3A_1116 = arith.constant 0 : index
    %get3A_1117 = arith.constant 0 : index
    %get3A_1118 = vector.load %arg2[%get3A_1115, %get3A_1116, %get3A_1117] : memref<100x128x128xf32, #tpu.memory_space<vmem>>, vector<1x128x128xf32>
    %get3A_1119 = vector.shape_cast %get3A_1118 : vector<1x128x128xf32> to vector<128x128xf32>
    %dot_general3A_1120 = arith.constant dense<0.000000e+00> : vector<128x128xf32>
    %dot_general3A_1121 = tpu.matmul %get3A_1114, %get3A_1119, %dot_general3A_1120 {dimension_numbers = #tpu.dot_dimension_numbers<[1], [0], [0], [1], [0, 0, 1, 1], [], []>, transpose_lhs_hint = false} : vector<128x128xf32>, vector<128x128xf32>, vector<128x128xf32> -> vector<128x128xf32>
    %get3A_1122 = arith.constant 0 : index
    %get3A_1123 = arith.constant 7936 : index
    %get3A_1124 = vector.load %arg3[%get3A_1122, %get3A_1123] : memref<1x12800xf32, #tpu.memory_space<vmem>>, vector<1x128xf32>
    %add3A_1125 = vector.broadcast %get3A_1124 : vector<1x128xf32> to vector<128x128xf32>
    %add3A_1126 = arith.addf %dot_general3A_1121, %add3A_1125 : vector<128x128xf32>
    %swap3A_1127 = arith.constant 0 : index
    %swap3A_1128 = arith.constant 7936 : index
    %swap3A_1129 = vector.load %arg4[%swap3A_1127, %swap3A_1128] : memref<128x12800xf32, #tpu.memory_space<vmem>>, vector<128x128xf32>
    tpu.vector_store %arg4[%swap3A_1127, %swap3A_1128], %add3A_1126 {strides = array<i32>} : memref<128x12800xf32, #tpu.memory_space<vmem>>, vector<128x128xf32>,
    %get3A_1130 = arith.constant 0 : index
    %get3A_1131 = arith.constant 8064 : index
    %get3A_1132 = vector.load %arg1[%get3A_1130, %get3A_1131] : memref<128x12800xf32, #tpu.memory_space<vmem>>, vector<128x128xf32>
    %get3A_1133 = arith.constant 63 : index
    %get3A_1134 = arith.constant 0 : index
    %get3A_1135 = arith.constant 0 : index
    %get3A_1136 = vector.load %arg2[%get3A_1133, %get3A_1134, %get3A_1135] : memref<100x128x128xf32, #tpu.memory_space<vmem>>, vector<1x128x128xf32>
    %get3A_1137 = vector.shape_cast %get3A_1136 : vector<1x128x128xf32> to vector<128x128xf32>
    %dot_general3A_1138 = arith.constant dense<0.000000e+00> : vector<128x128xf32>
    %dot_general3A_1139 = tpu.matmul %get3A_1132, %get3A_1137, %dot_general3A_1138 {dimension_numbers = #tpu.dot_dimension_numbers<[1], [0], [0], [1], [0, 0, 1, 1], [], []>, transpose_lhs_hint = false} : vector<128x128xf32>, vector<128x128xf32>, vector<128x128xf32> -> vector<128x128xf32>
    %get3A_1140 = arith.constant 0 : index
    %get3A_1141 = arith.constant 8064 : index
    %get3A_1142 = vector.load %arg3[%get3A_1140, %get3A_1141] : memref<1x12800xf32, #tpu.memory_space<vmem>>, vector<1x128xf32>
    %add3A_1143 = vector.broadcast %get3A_1142 : vector<1x128xf32> to vector<128x128xf32>
    %add3A_1144 = arith.addf %dot_general3A_1139, %add3A_1143 : vector<128x128xf32>
    %swap3A_1145 = arith.constant 0 : index
    %swap3A_1146 = arith.constant 8064 : index
    %swap3A_1147 = vector.load %arg4[%swap3A_1145, %swap3A_1146] : memref<128x12800xf32, #tpu.memory_space<vmem>>, vector<128x128xf32>
    tpu.vector_store %arg4[%swap3A_1145, %swap3A_1146], %add3A_1144 {strides = array<i32>} : memref<128x12800xf32, #tpu.memory_space<vmem>>, vector<128x128xf32>,
    %get3A_1148 = arith.constant 0 : index
    %get3A_1149 = arith.constant 8192 : index
    %get3A_1150 = vector.load %arg1[%get3A_1148, %get3A_1149] : memref<128x12800xf32, #tpu.memory_space<vmem>>, vector<128x128xf32>
    %get3A_1151 = arith.constant 64 : index
    %get3A_1152 = arith.constant 0 : index
    %get3A_1153 = arith.constant 0 : index
    %get3A_1154 = vector.load %arg2[%get3A_1151, %get3A_1152, %get3A_1153] : memref<100x128x128xf32, #tpu.memory_space<vmem>>, vector<1x128x128xf32>
    %get3A_1155 = vector.shape_cast %get3A_1154 : vector<1x128x128xf32> to vector<128x128xf32>
    %dot_general3A_1156 = arith.constant dense<0.000000e+00> : vector<128x128xf32>
    %dot_general3A_1157 = tpu.matmul %get3A_1150, %get3A_1155, %dot_general3A_1156 {dimension_numbers = #tpu.dot_dimension_numbers<[1], [0], [0], [1], [0, 0, 1, 1], [], []>, transpose_lhs_hint = false} : vector<128x128xf32>, vector<128x128xf32>, vector<128x128xf32> -> vector<128x128xf32>
    %get3A_1158 = arith.constant 0 : index
    %get3A_1159 = arith.constant 8192 : index
    %get3A_1160 = vector.load %arg3[%get3A_1158, %get3A_1159] : memref<1x12800xf32, #tpu.memory_space<vmem>>, vector<1x128xf32>
    %add3A_1161 = vector.broadcast %get3A_1160 : vector<1x128xf32> to vector<128x128xf32>
    %add3A_1162 = arith.addf %dot_general3A_1157, %add3A_1161 : vector<128x128xf32>
    %swap3A_1163 = arith.constant 0 : index
    %swap3A_1164 = arith.constant 8192 : index
    %swap3A_1165 = vector.load %arg4[%swap3A_1163, %swap3A_1164] : memref<128x12800xf32, #tpu.memory_space<vmem>>, vector<128x128xf32>
    tpu.vector_store %arg4[%swap3A_1163, %swap3A_1164], %add3A_1162 {strides = array<i32>} : memref<128x12800xf32, #tpu.memory_space<vmem>>, vector<128x128xf32>,
    %get3A_1166 = arith.constant 0 : index
    %get3A_1167 = arith.constant 8320 : index
    %get3A_1168 = vector.load %arg1[%get3A_1166, %get3A_1167] : memref<128x12800xf32, #tpu.memory_space<vmem>>, vector<128x128xf32>
    %get3A_1169 = arith.constant 65 : index
    %get3A_1170 = arith.constant 0 : index
    %get3A_1171 = arith.constant 0 : index
    %get3A_1172 = vector.load %arg2[%get3A_1169, %get3A_1170, %get3A_1171] : memref<100x128x128xf32, #tpu.memory_space<vmem>>, vector<1x128x128xf32>
    %get3A_1173 = vector.shape_cast %get3A_1172 : vector<1x128x128xf32> to vector<128x128xf32>
    %dot_general3A_1174 = arith.constant dense<0.000000e+00> : vector<128x128xf32>
    %dot_general3A_1175 = tpu.matmul %get3A_1168, %get3A_1173, %dot_general3A_1174 {dimension_numbers = #tpu.dot_dimension_numbers<[1], [0], [0], [1], [0, 0, 1, 1], [], []>, transpose_lhs_hint = false} : vector<128x128xf32>, vector<128x128xf32>, vector<128x128xf32> -> vector<128x128xf32>
    %get3A_1176 = arith.constant 0 : index
    %get3A_1177 = arith.constant 8320 : index
    %get3A_1178 = vector.load %arg3[%get3A_1176, %get3A_1177] : memref<1x12800xf32, #tpu.memory_space<vmem>>, vector<1x128xf32>
    %add3A_1179 = vector.broadcast %get3A_1178 : vector<1x128xf32> to vector<128x128xf32>
    %add3A_1180 = arith.addf %dot_general3A_1175, %add3A_1179 : vector<128x128xf32>
    %swap3A_1181 = arith.constant 0 : index
    %swap3A_1182 = arith.constant 8320 : index
    %swap3A_1183 = vector.load %arg4[%swap3A_1181, %swap3A_1182] : memref<128x12800xf32, #tpu.memory_space<vmem>>, vector<128x128xf32>
    tpu.vector_store %arg4[%swap3A_1181, %swap3A_1182], %add3A_1180 {strides = array<i32>} : memref<128x12800xf32, #tpu.memory_space<vmem>>, vector<128x128xf32>,
    %get3A_1184 = arith.constant 0 : index
    %get3A_1185 = arith.constant 8448 : index
    %get3A_1186 = vector.load %arg1[%get3A_1184, %get3A_1185] : memref<128x12800xf32, #tpu.memory_space<vmem>>, vector<128x128xf32>
    %get3A_1187 = arith.constant 66 : index
    %get3A_1188 = arith.constant 0 : index
    %get3A_1189 = arith.constant 0 : index
    %get3A_1190 = vector.load %arg2[%get3A_1187, %get3A_1188, %get3A_1189] : memref<100x128x128xf32, #tpu.memory_space<vmem>>, vector<1x128x128xf32>
    %get3A_1191 = vector.shape_cast %get3A_1190 : vector<1x128x128xf32> to vector<128x128xf32>
    %dot_general3A_1192 = arith.constant dense<0.000000e+00> : vector<128x128xf32>
    %dot_general3A_1193 = tpu.matmul %get3A_1186, %get3A_1191, %dot_general3A_1192 {dimension_numbers = #tpu.dot_dimension_numbers<[1], [0], [0], [1], [0, 0, 1, 1], [], []>, transpose_lhs_hint = false} : vector<128x128xf32>, vector<128x128xf32>, vector<128x128xf32> -> vector<128x128xf32>
    %get3A_1194 = arith.constant 0 : index
    %get3A_1195 = arith.constant 8448 : index
    %get3A_1196 = vector.load %arg3[%get3A_1194, %get3A_1195] : memref<1x12800xf32, #tpu.memory_space<vmem>>, vector<1x128xf32>
    %add3A_1197 = vector.broadcast %get3A_1196 : vector<1x128xf32> to vector<128x128xf32>
    %add3A_1198 = arith.addf %dot_general3A_1193, %add3A_1197 : vector<128x128xf32>
    %swap3A_1199 = arith.constant 0 : index
    %swap3A_1200 = arith.constant 8448 : index
    %swap3A_1201 = vector.load %arg4[%swap3A_1199, %swap3A_1200] : memref<128x12800xf32, #tpu.memory_space<vmem>>, vector<128x128xf32>
    tpu.vector_store %arg4[%swap3A_1199, %swap3A_1200], %add3A_1198 {strides = array<i32>} : memref<128x12800xf32, #tpu.memory_space<vmem>>, vector<128x128xf32>,
    %get3A_1202 = arith.constant 0 : index
    %get3A_1203 = arith.constant 8576 : index
    %get3A_1204 = vector.load %arg1[%get3A_1202, %get3A_1203] : memref<128x12800xf32, #tpu.memory_space<vmem>>, vector<128x128xf32>
    %get3A_1205 = arith.constant 67 : index
    %get3A_1206 = arith.constant 0 : index
    %get3A_1207 = arith.constant 0 : index
    %get3A_1208 = vector.load %arg2[%get3A_1205, %get3A_1206, %get3A_1207] : memref<100x128x128xf32, #tpu.memory_space<vmem>>, vector<1x128x128xf32>
    %get3A_1209 = vector.shape_cast %get3A_1208 : vector<1x128x128xf32> to vector<128x128xf32>
    %dot_general3A_1210 = arith.constant dense<0.000000e+00> : vector<128x128xf32>
    %dot_general3A_1211 = tpu.matmul %get3A_1204, %get3A_1209, %dot_general3A_1210 {dimension_numbers = #tpu.dot_dimension_numbers<[1], [0], [0], [1], [0, 0, 1, 1], [], []>, transpose_lhs_hint = false} : vector<128x128xf32>, vector<128x128xf32>, vector<128x128xf32> -> vector<128x128xf32>
    %get3A_1212 = arith.constant 0 : index
    %get3A_1213 = arith.constant 8576 : index
    %get3A_1214 = vector.load %arg3[%get3A_1212, %get3A_1213] : memref<1x12800xf32, #tpu.memory_space<vmem>>, vector<1x128xf32>
    %add3A_1215 = vector.broadcast %get3A_1214 : vector<1x128xf32> to vector<128x128xf32>
    %add3A_1216 = arith.addf %dot_general3A_1211, %add3A_1215 : vector<128x128xf32>
    %swap3A_1217 = arith.constant 0 : index
    %swap3A_1218 = arith.constant 8576 : index
    %swap3A_1219 = vector.load %arg4[%swap3A_1217, %swap3A_1218] : memref<128x12800xf32, #tpu.memory_space<vmem>>, vector<128x128xf32>
    tpu.vector_store %arg4[%swap3A_1217, %swap3A_1218], %add3A_1216 {strides = array<i32>} : memref<128x12800xf32, #tpu.memory_space<vmem>>, vector<128x128xf32>,
    %get3A_1220 = arith.constant 0 : index
    %get3A_1221 = arith.constant 8704 : index
    %get3A_1222 = vector.load %arg1[%get3A_1220, %get3A_1221] : memref<128x12800xf32, #tpu.memory_space<vmem>>, vector<128x128xf32>
    %get3A_1223 = arith.constant 68 : index
    %get3A_1224 = arith.constant 0 : index
    %get3A_1225 = arith.constant 0 : index
    %get3A_1226 = vector.load %arg2[%get3A_1223, %get3A_1224, %get3A_1225] : memref<100x128x128xf32, #tpu.memory_space<vmem>>, vector<1x128x128xf32>
    %get3A_1227 = vector.shape_cast %get3A_1226 : vector<1x128x128xf32> to vector<128x128xf32>
    %dot_general3A_1228 = arith.constant dense<0.000000e+00> : vector<128x128xf32>
    %dot_general3A_1229 = tpu.matmul %get3A_1222, %get3A_1227, %dot_general3A_1228 {dimension_numbers = #tpu.dot_dimension_numbers<[1], [0], [0], [1], [0, 0, 1, 1], [], []>, transpose_lhs_hint = false} : vector<128x128xf32>, vector<128x128xf32>, vector<128x128xf32> -> vector<128x128xf32>
    %get3A_1230 = arith.constant 0 : index
    %get3A_1231 = arith.constant 8704 : index
    %get3A_1232 = vector.load %arg3[%get3A_1230, %get3A_1231] : memref<1x12800xf32, #tpu.memory_space<vmem>>, vector<1x128xf32>
    %add3A_1233 = vector.broadcast %get3A_1232 : vector<1x128xf32> to vector<128x128xf32>
    %add3A_1234 = arith.addf %dot_general3A_1229, %add3A_1233 : vector<128x128xf32>
    %swap3A_1235 = arith.constant 0 : index
    %swap3A_1236 = arith.constant 8704 : index
    %swap3A_1237 = vector.load %arg4[%swap3A_1235, %swap3A_1236] : memref<128x12800xf32, #tpu.memory_space<vmem>>, vector<128x128xf32>
    tpu.vector_store %arg4[%swap3A_1235, %swap3A_1236], %add3A_1234 {strides = array<i32>} : memref<128x12800xf32, #tpu.memory_space<vmem>>, vector<128x128xf32>,
    %get3A_1238 = arith.constant 0 : index
    %get3A_1239 = arith.constant 8832 : index
    %get3A_1240 = vector.load %arg1[%get3A_1238, %get3A_1239] : memref<128x12800xf32, #tpu.memory_space<vmem>>, vector<128x128xf32>
    %get3A_1241 = arith.constant 69 : index
    %get3A_1242 = arith.constant 0 : index
    %get3A_1243 = arith.constant 0 : index
    %get3A_1244 = vector.load %arg2[%get3A_1241, %get3A_1242, %get3A_1243] : memref<100x128x128xf32, #tpu.memory_space<vmem>>, vector<1x128x128xf32>
    %get3A_1245 = vector.shape_cast %get3A_1244 : vector<1x128x128xf32> to vector<128x128xf32>
    %dot_general3A_1246 = arith.constant dense<0.000000e+00> : vector<128x128xf32>
    %dot_general3A_1247 = tpu.matmul %get3A_1240, %get3A_1245, %dot_general3A_1246 {dimension_numbers = #tpu.dot_dimension_numbers<[1], [0], [0], [1], [0, 0, 1, 1], [], []>, transpose_lhs_hint = false} : vector<128x128xf32>, vector<128x128xf32>, vector<128x128xf32> -> vector<128x128xf32>
    %get3A_1248 = arith.constant 0 : index
    %get3A_1249 = arith.constant 8832 : index
    %get3A_1250 = vector.load %arg3[%get3A_1248, %get3A_1249] : memref<1x12800xf32, #tpu.memory_space<vmem>>, vector<1x128xf32>
    %add3A_1251 = vector.broadcast %get3A_1250 : vector<1x128xf32> to vector<128x128xf32>
    %add3A_1252 = arith.addf %dot_general3A_1247, %add3A_1251 : vector<128x128xf32>
    %swap3A_1253 = arith.constant 0 : index
    %swap3A_1254 = arith.constant 8832 : index
    %swap3A_1255 = vector.load %arg4[%swap3A_1253, %swap3A_1254] : memref<128x12800xf32, #tpu.memory_space<vmem>>, vector<128x128xf32>
    tpu.vector_store %arg4[%swap3A_1253, %swap3A_1254], %add3A_1252 {strides = array<i32>} : memref<128x12800xf32, #tpu.memory_space<vmem>>, vector<128x128xf32>,
    %get3A_1256 = arith.constant 0 : index
    %get3A_1257 = arith.constant 8960 : index
    %get3A_1258 = vector.load %arg1[%get3A_1256, %get3A_1257] : memref<128x12800xf32, #tpu.memory_space<vmem>>, vector<128x128xf32>
    %get3A_1259 = arith.constant 70 : index
    %get3A_1260 = arith.constant 0 : index
    %get3A_1261 = arith.constant 0 : index
    %get3A_1262 = vector.load %arg2[%get3A_1259, %get3A_1260, %get3A_1261] : memref<100x128x128xf32, #tpu.memory_space<vmem>>, vector<1x128x128xf32>
    %get3A_1263 = vector.shape_cast %get3A_1262 : vector<1x128x128xf32> to vector<128x128xf32>
    %dot_general3A_1264 = arith.constant dense<0.000000e+00> : vector<128x128xf32>
    %dot_general3A_1265 = tpu.matmul %get3A_1258, %get3A_1263, %dot_general3A_1264 {dimension_numbers = #tpu.dot_dimension_numbers<[1], [0], [0], [1], [0, 0, 1, 1], [], []>, transpose_lhs_hint = false} : vector<128x128xf32>, vector<128x128xf32>, vector<128x128xf32> -> vector<128x128xf32>
    %get3A_1266 = arith.constant 0 : index
    %get3A_1267 = arith.constant 8960 : index
    %get3A_1268 = vector.load %arg3[%get3A_1266, %get3A_1267] : memref<1x12800xf32, #tpu.memory_space<vmem>>, vector<1x128xf32>
    %add3A_1269 = vector.broadcast %get3A_1268 : vector<1x128xf32> to vector<128x128xf32>
    %add3A_1270 = arith.addf %dot_general3A_1265, %add3A_1269 : vector<128x128xf32>
    %swap3A_1271 = arith.constant 0 : index
    %swap3A_1272 = arith.constant 8960 : index
    %swap3A_1273 = vector.load %arg4[%swap3A_1271, %swap3A_1272] : memref<128x12800xf32, #tpu.memory_space<vmem>>, vector<128x128xf32>
    tpu.vector_store %arg4[%swap3A_1271, %swap3A_1272], %add3A_1270 {strides = array<i32>} : memref<128x12800xf32, #tpu.memory_space<vmem>>, vector<128x128xf32>,
    %get3A_1274 = arith.constant 0 : index
    %get3A_1275 = arith.constant 9088 : index
    %get3A_1276 = vector.load %arg1[%get3A_1274, %get3A_1275] : memref<128x12800xf32, #tpu.memory_space<vmem>>, vector<128x128xf32>
    %get3A_1277 = arith.constant 71 : index
    %get3A_1278 = arith.constant 0 : index
    %get3A_1279 = arith.constant 0 : index
    %get3A_1280 = vector.load %arg2[%get3A_1277, %get3A_1278, %get3A_1279] : memref<100x128x128xf32, #tpu.memory_space<vmem>>, vector<1x128x128xf32>
    %get3A_1281 = vector.shape_cast %get3A_1280 : vector<1x128x128xf32> to vector<128x128xf32>
    %dot_general3A_1282 = arith.constant dense<0.000000e+00> : vector<128x128xf32>
    %dot_general3A_1283 = tpu.matmul %get3A_1276, %get3A_1281, %dot_general3A_1282 {dimension_numbers = #tpu.dot_dimension_numbers<[1], [0], [0], [1], [0, 0, 1, 1], [], []>, transpose_lhs_hint = false} : vector<128x128xf32>, vector<128x128xf32>, vector<128x128xf32> -> vector<128x128xf32>
    %get3A_1284 = arith.constant 0 : index
    %get3A_1285 = arith.constant 9088 : index
    %get3A_1286 = vector.load %arg3[%get3A_1284, %get3A_1285] : memref<1x12800xf32, #tpu.memory_space<vmem>>, vector<1x128xf32>
    %add3A_1287 = vector.broadcast %get3A_1286 : vector<1x128xf32> to vector<128x128xf32>
    %add3A_1288 = arith.addf %dot_general3A_1283, %add3A_1287 : vector<128x128xf32>
    %swap3A_1289 = arith.constant 0 : index
    %swap3A_1290 = arith.constant 9088 : index
    %swap3A_1291 = vector.load %arg4[%swap3A_1289, %swap3A_1290] : memref<128x12800xf32, #tpu.memory_space<vmem>>, vector<128x128xf32>
    tpu.vector_store %arg4[%swap3A_1289, %swap3A_1290], %add3A_1288 {strides = array<i32>} : memref<128x12800xf32, #tpu.memory_space<vmem>>, vector<128x128xf32>,
    %get3A_1292 = arith.constant 0 : index
    %get3A_1293 = arith.constant 9216 : index
    %get3A_1294 = vector.load %arg1[%get3A_1292, %get3A_1293] : memref<128x12800xf32, #tpu.memory_space<vmem>>, vector<128x128xf32>
    %get3A_1295 = arith.constant 72 : index
    %get3A_1296 = arith.constant 0 : index
    %get3A_1297 = arith.constant 0 : index
    %get3A_1298 = vector.load %arg2[%get3A_1295, %get3A_1296, %get3A_1297] : memref<100x128x128xf32, #tpu.memory_space<vmem>>, vector<1x128x128xf32>
    %get3A_1299 = vector.shape_cast %get3A_1298 : vector<1x128x128xf32> to vector<128x128xf32>
    %dot_general3A_1300 = arith.constant dense<0.000000e+00> : vector<128x128xf32>
    %dot_general3A_1301 = tpu.matmul %get3A_1294, %get3A_1299, %dot_general3A_1300 {dimension_numbers = #tpu.dot_dimension_numbers<[1], [0], [0], [1], [0, 0, 1, 1], [], []>, transpose_lhs_hint = false} : vector<128x128xf32>, vector<128x128xf32>, vector<128x128xf32> -> vector<128x128xf32>
    %get3A_1302 = arith.constant 0 : index
    %get3A_1303 = arith.constant 9216 : index
    %get3A_1304 = vector.load %arg3[%get3A_1302, %get3A_1303] : memref<1x12800xf32, #tpu.memory_space<vmem>>, vector<1x128xf32>
    %add3A_1305 = vector.broadcast %get3A_1304 : vector<1x128xf32> to vector<128x128xf32>
    %add3A_1306 = arith.addf %dot_general3A_1301, %add3A_1305 : vector<128x128xf32>
    %swap3A_1307 = arith.constant 0 : index
    %swap3A_1308 = arith.constant 9216 : index
    %swap3A_1309 = vector.load %arg4[%swap3A_1307, %swap3A_1308] : memref<128x12800xf32, #tpu.memory_space<vmem>>, vector<128x128xf32>
    tpu.vector_store %arg4[%swap3A_1307, %swap3A_1308], %add3A_1306 {strides = array<i32>} : memref<128x12800xf32, #tpu.memory_space<vmem>>, vector<128x128xf32>,
    %get3A_1310 = arith.constant 0 : index
    %get3A_1311 = arith.constant 9344 : index
    %get3A_1312 = vector.load %arg1[%get3A_1310, %get3A_1311] : memref<128x12800xf32, #tpu.memory_space<vmem>>, vector<128x128xf32>
    %get3A_1313 = arith.constant 73 : index
    %get3A_1314 = arith.constant 0 : index
    %get3A_1315 = arith.constant 0 : index
    %get3A_1316 = vector.load %arg2[%get3A_1313, %get3A_1314, %get3A_1315] : memref<100x128x128xf32, #tpu.memory_space<vmem>>, vector<1x128x128xf32>
    %get3A_1317 = vector.shape_cast %get3A_1316 : vector<1x128x128xf32> to vector<128x128xf32>
    %dot_general3A_1318 = arith.constant dense<0.000000e+00> : vector<128x128xf32>
    %dot_general3A_1319 = tpu.matmul %get3A_1312, %get3A_1317, %dot_general3A_1318 {dimension_numbers = #tpu.dot_dimension_numbers<[1], [0], [0], [1], [0, 0, 1, 1], [], []>, transpose_lhs_hint = false} : vector<128x128xf32>, vector<128x128xf32>, vector<128x128xf32> -> vector<128x128xf32>
    %get3A_1320 = arith.constant 0 : index
    %get3A_1321 = arith.constant 9344 : index
    %get3A_1322 = vector.load %arg3[%get3A_1320, %get3A_1321] : memref<1x12800xf32, #tpu.memory_space<vmem>>, vector<1x128xf32>
    %add3A_1323 = vector.broadcast %get3A_1322 : vector<1x128xf32> to vector<128x128xf32>
    %add3A_1324 = arith.addf %dot_general3A_1319, %add3A_1323 : vector<128x128xf32>
    %swap3A_1325 = arith.constant 0 : index
    %swap3A_1326 = arith.constant 9344 : index
    %swap3A_1327 = vector.load %arg4[%swap3A_1325, %swap3A_1326] : memref<128x12800xf32, #tpu.memory_space<vmem>>, vector<128x128xf32>
    tpu.vector_store %arg4[%swap3A_1325, %swap3A_1326], %add3A_1324 {strides = array<i32>} : memref<128x12800xf32, #tpu.memory_space<vmem>>, vector<128x128xf32>,
    %get3A_1328 = arith.constant 0 : index
    %get3A_1329 = arith.constant 9472 : index
    %get3A_1330 = vector.load %arg1[%get3A_1328, %get3A_1329] : memref<128x12800xf32, #tpu.memory_space<vmem>>, vector<128x128xf32>
    %get3A_1331 = arith.constant 74 : index
    %get3A_1332 = arith.constant 0 : index
    %get3A_1333 = arith.constant 0 : index
    %get3A_1334 = vector.load %arg2[%get3A_1331, %get3A_1332, %get3A_1333] : memref<100x128x128xf32, #tpu.memory_space<vmem>>, vector<1x128x128xf32>
    %get3A_1335 = vector.shape_cast %get3A_1334 : vector<1x128x128xf32> to vector<128x128xf32>
    %dot_general3A_1336 = arith.constant dense<0.000000e+00> : vector<128x128xf32>
    %dot_general3A_1337 = tpu.matmul %get3A_1330, %get3A_1335, %dot_general3A_1336 {dimension_numbers = #tpu.dot_dimension_numbers<[1], [0], [0], [1], [0, 0, 1, 1], [], []>, transpose_lhs_hint = false} : vector<128x128xf32>, vector<128x128xf32>, vector<128x128xf32> -> vector<128x128xf32>
    %get3A_1338 = arith.constant 0 : index
    %get3A_1339 = arith.constant 9472 : index
    %get3A_1340 = vector.load %arg3[%get3A_1338, %get3A_1339] : memref<1x12800xf32, #tpu.memory_space<vmem>>, vector<1x128xf32>
    %add3A_1341 = vector.broadcast %get3A_1340 : vector<1x128xf32> to vector<128x128xf32>
    %add3A_1342 = arith.addf %dot_general3A_1337, %add3A_1341 : vector<128x128xf32>
    %swap3A_1343 = arith.constant 0 : index
    %swap3A_1344 = arith.constant 9472 : index
    %swap3A_1345 = vector.load %arg4[%swap3A_1343, %swap3A_1344] : memref<128x12800xf32, #tpu.memory_space<vmem>>, vector<128x128xf32>
    tpu.vector_store %arg4[%swap3A_1343, %swap3A_1344], %add3A_1342 {strides = array<i32>} : memref<128x12800xf32, #tpu.memory_space<vmem>>, vector<128x128xf32>,
    %get3A_1346 = arith.constant 0 : index
    %get3A_1347 = arith.constant 9600 : index
    %get3A_1348 = vector.load %arg1[%get3A_1346, %get3A_1347] : memref<128x12800xf32, #tpu.memory_space<vmem>>, vector<128x128xf32>
    %get3A_1349 = arith.constant 75 : index
    %get3A_1350 = arith.constant 0 : index
    %get3A_1351 = arith.constant 0 : index
    %get3A_1352 = vector.load %arg2[%get3A_1349, %get3A_1350, %get3A_1351] : memref<100x128x128xf32, #tpu.memory_space<vmem>>, vector<1x128x128xf32>
    %get3A_1353 = vector.shape_cast %get3A_1352 : vector<1x128x128xf32> to vector<128x128xf32>
    %dot_general3A_1354 = arith.constant dense<0.000000e+00> : vector<128x128xf32>
    %dot_general3A_1355 = tpu.matmul %get3A_1348, %get3A_1353, %dot_general3A_1354 {dimension_numbers = #tpu.dot_dimension_numbers<[1], [0], [0], [1], [0, 0, 1, 1], [], []>, transpose_lhs_hint = false} : vector<128x128xf32>, vector<128x128xf32>, vector<128x128xf32> -> vector<128x128xf32>
    %get3A_1356 = arith.constant 0 : index
    %get3A_1357 = arith.constant 9600 : index
    %get3A_1358 = vector.load %arg3[%get3A_1356, %get3A_1357] : memref<1x12800xf32, #tpu.memory_space<vmem>>, vector<1x128xf32>
    %add3A_1359 = vector.broadcast %get3A_1358 : vector<1x128xf32> to vector<128x128xf32>
    %add3A_1360 = arith.addf %dot_general3A_1355, %add3A_1359 : vector<128x128xf32>
    %swap3A_1361 = arith.constant 0 : index
    %swap3A_1362 = arith.constant 9600 : index
    %swap3A_1363 = vector.load %arg4[%swap3A_1361, %swap3A_1362] : memref<128x12800xf32, #tpu.memory_space<vmem>>, vector<128x128xf32>
    tpu.vector_store %arg4[%swap3A_1361, %swap3A_1362], %add3A_1360 {strides = array<i32>} : memref<128x12800xf32, #tpu.memory_space<vmem>>, vector<128x128xf32>,
    %get3A_1364 = arith.constant 0 : index
    %get3A_1365 = arith.constant 9728 : index
    %get3A_1366 = vector.load %arg1[%get3A_1364, %get3A_1365] : memref<128x12800xf32, #tpu.memory_space<vmem>>, vector<128x128xf32>
    %get3A_1367 = arith.constant 76 : index
    %get3A_1368 = arith.constant 0 : index
    %get3A_1369 = arith.constant 0 : index
    %get3A_1370 = vector.load %arg2[%get3A_1367, %get3A_1368, %get3A_1369] : memref<100x128x128xf32, #tpu.memory_space<vmem>>, vector<1x128x128xf32>
    %get3A_1371 = vector.shape_cast %get3A_1370 : vector<1x128x128xf32> to vector<128x128xf32>
    %dot_general3A_1372 = arith.constant dense<0.000000e+00> : vector<128x128xf32>
    %dot_general3A_1373 = tpu.matmul %get3A_1366, %get3A_1371, %dot_general3A_1372 {dimension_numbers = #tpu.dot_dimension_numbers<[1], [0], [0], [1], [0, 0, 1, 1], [], []>, transpose_lhs_hint = false} : vector<128x128xf32>, vector<128x128xf32>, vector<128x128xf32> -> vector<128x128xf32>
    %get3A_1374 = arith.constant 0 : index
    %get3A_1375 = arith.constant 9728 : index
    %get3A_1376 = vector.load %arg3[%get3A_1374, %get3A_1375] : memref<1x12800xf32, #tpu.memory_space<vmem>>, vector<1x128xf32>
    %add3A_1377 = vector.broadcast %get3A_1376 : vector<1x128xf32> to vector<128x128xf32>
    %add3A_1378 = arith.addf %dot_general3A_1373, %add3A_1377 : vector<128x128xf32>
    %swap3A_1379 = arith.constant 0 : index
    %swap3A_1380 = arith.constant 9728 : index
    %swap3A_1381 = vector.load %arg4[%swap3A_1379, %swap3A_1380] : memref<128x12800xf32, #tpu.memory_space<vmem>>, vector<128x128xf32>
    tpu.vector_store %arg4[%swap3A_1379, %swap3A_1380], %add3A_1378 {strides = array<i32>} : memref<128x12800xf32, #tpu.memory_space<vmem>>, vector<128x128xf32>,
    %get3A_1382 = arith.constant 0 : index
    %get3A_1383 = arith.constant 9856 : index
    %get3A_1384 = vector.load %arg1[%get3A_1382, %get3A_1383] : memref<128x12800xf32, #tpu.memory_space<vmem>>, vector<128x128xf32>
    %get3A_1385 = arith.constant 77 : index
    %get3A_1386 = arith.constant 0 : index
    %get3A_1387 = arith.constant 0 : index
    %get3A_1388 = vector.load %arg2[%get3A_1385, %get3A_1386, %get3A_1387] : memref<100x128x128xf32, #tpu.memory_space<vmem>>, vector<1x128x128xf32>
    %get3A_1389 = vector.shape_cast %get3A_1388 : vector<1x128x128xf32> to vector<128x128xf32>
    %dot_general3A_1390 = arith.constant dense<0.000000e+00> : vector<128x128xf32>
    %dot_general3A_1391 = tpu.matmul %get3A_1384, %get3A_1389, %dot_general3A_1390 {dimension_numbers = #tpu.dot_dimension_numbers<[1], [0], [0], [1], [0, 0, 1, 1], [], []>, transpose_lhs_hint = false} : vector<128x128xf32>, vector<128x128xf32>, vector<128x128xf32> -> vector<128x128xf32>
    %get3A_1392 = arith.constant 0 : index
    %get3A_1393 = arith.constant 9856 : index
    %get3A_1394 = vector.load %arg3[%get3A_1392, %get3A_1393] : memref<1x12800xf32, #tpu.memory_space<vmem>>, vector<1x128xf32>
    %add3A_1395 = vector.broadcast %get3A_1394 : vector<1x128xf32> to vector<128x128xf32>
    %add3A_1396 = arith.addf %dot_general3A_1391, %add3A_1395 : vector<128x128xf32>
    %swap3A_1397 = arith.constant 0 : index
    %swap3A_1398 = arith.constant 9856 : index
    %swap3A_1399 = vector.load %arg4[%swap3A_1397, %swap3A_1398] : memref<128x12800xf32, #tpu.memory_space<vmem>>, vector<128x128xf32>
    tpu.vector_store %arg4[%swap3A_1397, %swap3A_1398], %add3A_1396 {strides = array<i32>} : memref<128x12800xf32, #tpu.memory_space<vmem>>, vector<128x128xf32>,
    %get3A_1400 = arith.constant 0 : index
    %get3A_1401 = arith.constant 9984 : index
    %get3A_1402 = vector.load %arg1[%get3A_1400, %get3A_1401] : memref<128x12800xf32, #tpu.memory_space<vmem>>, vector<128x128xf32>
    %get3A_1403 = arith.constant 78 : index
    %get3A_1404 = arith.constant 0 : index
    %get3A_1405 = arith.constant 0 : index
    %get3A_1406 = vector.load %arg2[%get3A_1403, %get3A_1404, %get3A_1405] : memref<100x128x128xf32, #tpu.memory_space<vmem>>, vector<1x128x128xf32>
    %get3A_1407 = vector.shape_cast %get3A_1406 : vector<1x128x128xf32> to vector<128x128xf32>
    %dot_general3A_1408 = arith.constant dense<0.000000e+00> : vector<128x128xf32>
    %dot_general3A_1409 = tpu.matmul %get3A_1402, %get3A_1407, %dot_general3A_1408 {dimension_numbers = #tpu.dot_dimension_numbers<[1], [0], [0], [1], [0, 0, 1, 1], [], []>, transpose_lhs_hint = false} : vector<128x128xf32>, vector<128x128xf32>, vector<128x128xf32> -> vector<128x128xf32>
    %get3A_1410 = arith.constant 0 : index
    %get3A_1411 = arith.constant 9984 : index
    %get3A_1412 = vector.load %arg3[%get3A_1410, %get3A_1411] : memref<1x12800xf32, #tpu.memory_space<vmem>>, vector<1x128xf32>
    %add3A_1413 = vector.broadcast %get3A_1412 : vector<1x128xf32> to vector<128x128xf32>
    %add3A_1414 = arith.addf %dot_general3A_1409, %add3A_1413 : vector<128x128xf32>
    %swap3A_1415 = arith.constant 0 : index
    %swap3A_1416 = arith.constant 9984 : index
    %swap3A_1417 = vector.load %arg4[%swap3A_1415, %swap3A_1416] : memref<128x12800xf32, #tpu.memory_space<vmem>>, vector<128x128xf32>
    tpu.vector_store %arg4[%swap3A_1415, %swap3A_1416], %add3A_1414 {strides = array<i32>} : memref<128x12800xf32, #tpu.memory_space<vmem>>, vector<128x128xf32>,
    %get3A_1418 = arith.constant 0 : index
    %get3A_1419 = arith.constant 10112 : index
    %get3A_1420 = vector.load %arg1[%get3A_1418, %get3A_1419] : memref<128x12800xf32, #tpu.memory_space<vmem>>, vector<128x128xf32>
    %get3A_1421 = arith.constant 79 : index
    %get3A_1422 = arith.constant 0 : index
    %get3A_1423 = arith.constant 0 : index
    %get3A_1424 = vector.load %arg2[%get3A_1421, %get3A_1422, %get3A_1423] : memref<100x128x128xf32, #tpu.memory_space<vmem>>, vector<1x128x128xf32>
    %get3A_1425 = vector.shape_cast %get3A_1424 : vector<1x128x128xf32> to vector<128x128xf32>
    %dot_general3A_1426 = arith.constant dense<0.000000e+00> : vector<128x128xf32>
    %dot_general3A_1427 = tpu.matmul %get3A_1420, %get3A_1425, %dot_general3A_1426 {dimension_numbers = #tpu.dot_dimension_numbers<[1], [0], [0], [1], [0, 0, 1, 1], [], []>, transpose_lhs_hint = false} : vector<128x128xf32>, vector<128x128xf32>, vector<128x128xf32> -> vector<128x128xf32>
    %get3A_1428 = arith.constant 0 : index
    %get3A_1429 = arith.constant 10112 : index
    %get3A_1430 = vector.load %arg3[%get3A_1428, %get3A_1429] : memref<1x12800xf32, #tpu.memory_space<vmem>>, vector<1x128xf32>
    %add3A_1431 = vector.broadcast %get3A_1430 : vector<1x128xf32> to vector<128x128xf32>
    %add3A_1432 = arith.addf %dot_general3A_1427, %add3A_1431 : vector<128x128xf32>
    %swap3A_1433 = arith.constant 0 : index
    %swap3A_1434 = arith.constant 10112 : index
    %swap3A_1435 = vector.load %arg4[%swap3A_1433, %swap3A_1434] : memref<128x12800xf32, #tpu.memory_space<vmem>>, vector<128x128xf32>
    tpu.vector_store %arg4[%swap3A_1433, %swap3A_1434], %add3A_1432 {strides = array<i32>} : memref<128x12800xf32, #tpu.memory_space<vmem>>, vector<128x128xf32>,
    %get3A_1436 = arith.constant 0 : index
    %get3A_1437 = arith.constant 10240 : index
    %get3A_1438 = vector.load %arg1[%get3A_1436, %get3A_1437] : memref<128x12800xf32, #tpu.memory_space<vmem>>, vector<128x128xf32>
    %get3A_1439 = arith.constant 80 : index
    %get3A_1440 = arith.constant 0 : index
    %get3A_1441 = arith.constant 0 : index
    %get3A_1442 = vector.load %arg2[%get3A_1439, %get3A_1440, %get3A_1441] : memref<100x128x128xf32, #tpu.memory_space<vmem>>, vector<1x128x128xf32>
    %get3A_1443 = vector.shape_cast %get3A_1442 : vector<1x128x128xf32> to vector<128x128xf32>
    %dot_general3A_1444 = arith.constant dense<0.000000e+00> : vector<128x128xf32>
    %dot_general3A_1445 = tpu.matmul %get3A_1438, %get3A_1443, %dot_general3A_1444 {dimension_numbers = #tpu.dot_dimension_numbers<[1], [0], [0], [1], [0, 0, 1, 1], [], []>, transpose_lhs_hint = false} : vector<128x128xf32>, vector<128x128xf32>, vector<128x128xf32> -> vector<128x128xf32>
    %get3A_1446 = arith.constant 0 : index
    %get3A_1447 = arith.constant 10240 : index
    %get3A_1448 = vector.load %arg3[%get3A_1446, %get3A_1447] : memref<1x12800xf32, #tpu.memory_space<vmem>>, vector<1x128xf32>
    %add3A_1449 = vector.broadcast %get3A_1448 : vector<1x128xf32> to vector<128x128xf32>
    %add3A_1450 = arith.addf %dot_general3A_1445, %add3A_1449 : vector<128x128xf32>
    %swap3A_1451 = arith.constant 0 : index
    %swap3A_1452 = arith.constant 10240 : index
    %swap3A_1453 = vector.load %arg4[%swap3A_1451, %swap3A_1452] : memref<128x12800xf32, #tpu.memory_space<vmem>>, vector<128x128xf32>
    tpu.vector_store %arg4[%swap3A_1451, %swap3A_1452], %add3A_1450 {strides = array<i32>} : memref<128x12800xf32, #tpu.memory_space<vmem>>, vector<128x128xf32>,
    %get3A_1454 = arith.constant 0 : index
    %get3A_1455 = arith.constant 10368 : index
    %get3A_1456 = vector.load %arg1[%get3A_1454, %get3A_1455] : memref<128x12800xf32, #tpu.memory_space<vmem>>, vector<128x128xf32>
    %get3A_1457 = arith.constant 81 : index
    %get3A_1458 = arith.constant 0 : index
    %get3A_1459 = arith.constant 0 : index
    %get3A_1460 = vector.load %arg2[%get3A_1457, %get3A_1458, %get3A_1459] : memref<100x128x128xf32, #tpu.memory_space<vmem>>, vector<1x128x128xf32>
    %get3A_1461 = vector.shape_cast %get3A_1460 : vector<1x128x128xf32> to vector<128x128xf32>
    %dot_general3A_1462 = arith.constant dense<0.000000e+00> : vector<128x128xf32>
    %dot_general3A_1463 = tpu.matmul %get3A_1456, %get3A_1461, %dot_general3A_1462 {dimension_numbers = #tpu.dot_dimension_numbers<[1], [0], [0], [1], [0, 0, 1, 1], [], []>, transpose_lhs_hint = false} : vector<128x128xf32>, vector<128x128xf32>, vector<128x128xf32> -> vector<128x128xf32>
    %get3A_1464 = arith.constant 0 : index
    %get3A_1465 = arith.constant 10368 : index
    %get3A_1466 = vector.load %arg3[%get3A_1464, %get3A_1465] : memref<1x12800xf32, #tpu.memory_space<vmem>>, vector<1x128xf32>
    %add3A_1467 = vector.broadcast %get3A_1466 : vector<1x128xf32> to vector<128x128xf32>
    %add3A_1468 = arith.addf %dot_general3A_1463, %add3A_1467 : vector<128x128xf32>
    %swap3A_1469 = arith.constant 0 : index
    %swap3A_1470 = arith.constant 10368 : index
    %swap3A_1471 = vector.load %arg4[%swap3A_1469, %swap3A_1470] : memref<128x12800xf32, #tpu.memory_space<vmem>>, vector<128x128xf32>
    tpu.vector_store %arg4[%swap3A_1469, %swap3A_1470], %add3A_1468 {strides = array<i32>} : memref<128x12800xf32, #tpu.memory_space<vmem>>, vector<128x128xf32>,
    %get3A_1472 = arith.constant 0 : index
    %get3A_1473 = arith.constant 10496 : index
    %get3A_1474 = vector.load %arg1[%get3A_1472, %get3A_1473] : memref<128x12800xf32, #tpu.memory_space<vmem>>, vector<128x128xf32>
    %get3A_1475 = arith.constant 82 : index
    %get3A_1476 = arith.constant 0 : index
    %get3A_1477 = arith.constant 0 : index
    %get3A_1478 = vector.load %arg2[%get3A_1475, %get3A_1476, %get3A_1477] : memref<100x128x128xf32, #tpu.memory_space<vmem>>, vector<1x128x128xf32>
    %get3A_1479 = vector.shape_cast %get3A_1478 : vector<1x128x128xf32> to vector<128x128xf32>
    %dot_general3A_1480 = arith.constant dense<0.000000e+00> : vector<128x128xf32>
    %dot_general3A_1481 = tpu.matmul %get3A_1474, %get3A_1479, %dot_general3A_1480 {dimension_numbers = #tpu.dot_dimension_numbers<[1], [0], [0], [1], [0, 0, 1, 1], [], []>, transpose_lhs_hint = false} : vector<128x128xf32>, vector<128x128xf32>, vector<128x128xf32> -> vector<128x128xf32>
    %get3A_1482 = arith.constant 0 : index
    %get3A_1483 = arith.constant 10496 : index
    %get3A_1484 = vector.load %arg3[%get3A_1482, %get3A_1483] : memref<1x12800xf32, #tpu.memory_space<vmem>>, vector<1x128xf32>
    %add3A_1485 = vector.broadcast %get3A_1484 : vector<1x128xf32> to vector<128x128xf32>
    %add3A_1486 = arith.addf %dot_general3A_1481, %add3A_1485 : vector<128x128xf32>
    %swap3A_1487 = arith.constant 0 : index
    %swap3A_1488 = arith.constant 10496 : index
    %swap3A_1489 = vector.load %arg4[%swap3A_1487, %swap3A_1488] : memref<128x12800xf32, #tpu.memory_space<vmem>>, vector<128x128xf32>
    tpu.vector_store %arg4[%swap3A_1487, %swap3A_1488], %add3A_1486 {strides = array<i32>} : memref<128x12800xf32, #tpu.memory_space<vmem>>, vector<128x128xf32>,
    %get3A_1490 = arith.constant 0 : index
    %get3A_1491 = arith.constant 10624 : index
    %get3A_1492 = vector.load %arg1[%get3A_1490, %get3A_1491] : memref<128x12800xf32, #tpu.memory_space<vmem>>, vector<128x128xf32>
    %get3A_1493 = arith.constant 83 : index
    %get3A_1494 = arith.constant 0 : index
    %get3A_1495 = arith.constant 0 : index
    %get3A_1496 = vector.load %arg2[%get3A_1493, %get3A_1494, %get3A_1495] : memref<100x128x128xf32, #tpu.memory_space<vmem>>, vector<1x128x128xf32>
    %get3A_1497 = vector.shape_cast %get3A_1496 : vector<1x128x128xf32> to vector<128x128xf32>
    %dot_general3A_1498 = arith.constant dense<0.000000e+00> : vector<128x128xf32>
    %dot_general3A_1499 = tpu.matmul %get3A_1492, %get3A_1497, %dot_general3A_1498 {dimension_numbers = #tpu.dot_dimension_numbers<[1], [0], [0], [1], [0, 0, 1, 1], [], []>, transpose_lhs_hint = false} : vector<128x128xf32>, vector<128x128xf32>, vector<128x128xf32> -> vector<128x128xf32>
    %get3A_1500 = arith.constant 0 : index
    %get3A_1501 = arith.constant 10624 : index
    %get3A_1502 = vector.load %arg3[%get3A_1500, %get3A_1501] : memref<1x12800xf32, #tpu.memory_space<vmem>>, vector<1x128xf32>
    %add3A_1503 = vector.broadcast %get3A_1502 : vector<1x128xf32> to vector<128x128xf32>
    %add3A_1504 = arith.addf %dot_general3A_1499, %add3A_1503 : vector<128x128xf32>
    %swap3A_1505 = arith.constant 0 : index
    %swap3A_1506 = arith.constant 10624 : index
    %swap3A_1507 = vector.load %arg4[%swap3A_1505, %swap3A_1506] : memref<128x12800xf32, #tpu.memory_space<vmem>>, vector<128x128xf32>
    tpu.vector_store %arg4[%swap3A_1505, %swap3A_1506], %add3A_1504 {strides = array<i32>} : memref<128x12800xf32, #tpu.memory_space<vmem>>, vector<128x128xf32>,
    %get3A_1508 = arith.constant 0 : index
    %get3A_1509 = arith.constant 10752 : index
    %get3A_1510 = vector.load %arg1[%get3A_1508, %get3A_1509] : memref<128x12800xf32, #tpu.memory_space<vmem>>, vector<128x128xf32>
    %get3A_1511 = arith.constant 84 : index
    %get3A_1512 = arith.constant 0 : index
    %get3A_1513 = arith.constant 0 : index
    %get3A_1514 = vector.load %arg2[%get3A_1511, %get3A_1512, %get3A_1513] : memref<100x128x128xf32, #tpu.memory_space<vmem>>, vector<1x128x128xf32>
    %get3A_1515 = vector.shape_cast %get3A_1514 : vector<1x128x128xf32> to vector<128x128xf32>
    %dot_general3A_1516 = arith.constant dense<0.000000e+00> : vector<128x128xf32>
    %dot_general3A_1517 = tpu.matmul %get3A_1510, %get3A_1515, %dot_general3A_1516 {dimension_numbers = #tpu.dot_dimension_numbers<[1], [0], [0], [1], [0, 0, 1, 1], [], []>, transpose_lhs_hint = false} : vector<128x128xf32>, vector<128x128xf32>, vector<128x128xf32> -> vector<128x128xf32>
    %get3A_1518 = arith.constant 0 : index
    %get3A_1519 = arith.constant 10752 : index
    %get3A_1520 = vector.load %arg3[%get3A_1518, %get3A_1519] : memref<1x12800xf32, #tpu.memory_space<vmem>>, vector<1x128xf32>
    %add3A_1521 = vector.broadcast %get3A_1520 : vector<1x128xf32> to vector<128x128xf32>
    %add3A_1522 = arith.addf %dot_general3A_1517, %add3A_1521 : vector<128x128xf32>
    %swap3A_1523 = arith.constant 0 : index
    %swap3A_1524 = arith.constant 10752 : index
    %swap3A_1525 = vector.load %arg4[%swap3A_1523, %swap3A_1524] : memref<128x12800xf32, #tpu.memory_space<vmem>>, vector<128x128xf32>
    tpu.vector_store %arg4[%swap3A_1523, %swap3A_1524], %add3A_1522 {strides = array<i32>} : memref<128x12800xf32, #tpu.memory_space<vmem>>, vector<128x128xf32>,
    %get3A_1526 = arith.constant 0 : index
    %get3A_1527 = arith.constant 10880 : index
    %get3A_1528 = vector.load %arg1[%get3A_1526, %get3A_1527] : memref<128x12800xf32, #tpu.memory_space<vmem>>, vector<128x128xf32>
    %get3A_1529 = arith.constant 85 : index
    %get3A_1530 = arith.constant 0 : index
    %get3A_1531 = arith.constant 0 : index
    %get3A_1532 = vector.load %arg2[%get3A_1529, %get3A_1530, %get3A_1531] : memref<100x128x128xf32, #tpu.memory_space<vmem>>, vector<1x128x128xf32>
    %get3A_1533 = vector.shape_cast %get3A_1532 : vector<1x128x128xf32> to vector<128x128xf32>
    %dot_general3A_1534 = arith.constant dense<0.000000e+00> : vector<128x128xf32>
    %dot_general3A_1535 = tpu.matmul %get3A_1528, %get3A_1533, %dot_general3A_1534 {dimension_numbers = #tpu.dot_dimension_numbers<[1], [0], [0], [1], [0, 0, 1, 1], [], []>, transpose_lhs_hint = false} : vector<128x128xf32>, vector<128x128xf32>, vector<128x128xf32> -> vector<128x128xf32>
    %get3A_1536 = arith.constant 0 : index
    %get3A_1537 = arith.constant 10880 : index
    %get3A_1538 = vector.load %arg3[%get3A_1536, %get3A_1537] : memref<1x12800xf32, #tpu.memory_space<vmem>>, vector<1x128xf32>
    %add3A_1539 = vector.broadcast %get3A_1538 : vector<1x128xf32> to vector<128x128xf32>
    %add3A_1540 = arith.addf %dot_general3A_1535, %add3A_1539 : vector<128x128xf32>
    %swap3A_1541 = arith.constant 0 : index
    %swap3A_1542 = arith.constant 10880 : index
    %swap3A_1543 = vector.load %arg4[%swap3A_1541, %swap3A_1542] : memref<128x12800xf32, #tpu.memory_space<vmem>>, vector<128x128xf32>
    tpu.vector_store %arg4[%swap3A_1541, %swap3A_1542], %add3A_1540 {strides = array<i32>} : memref<128x12800xf32, #tpu.memory_space<vmem>>, vector<128x128xf32>,
    %get3A_1544 = arith.constant 0 : index
    %get3A_1545 = arith.constant 11008 : index
    %get3A_1546 = vector.load %arg1[%get3A_1544, %get3A_1545] : memref<128x12800xf32, #tpu.memory_space<vmem>>, vector<128x128xf32>
    %get3A_1547 = arith.constant 86 : index
    %get3A_1548 = arith.constant 0 : index
    %get3A_1549 = arith.constant 0 : index
    %get3A_1550 = vector.load %arg2[%get3A_1547, %get3A_1548, %get3A_1549] : memref<100x128x128xf32, #tpu.memory_space<vmem>>, vector<1x128x128xf32>
    %get3A_1551 = vector.shape_cast %get3A_1550 : vector<1x128x128xf32> to vector<128x128xf32>
    %dot_general3A_1552 = arith.constant dense<0.000000e+00> : vector<128x128xf32>
    %dot_general3A_1553 = tpu.matmul %get3A_1546, %get3A_1551, %dot_general3A_1552 {dimension_numbers = #tpu.dot_dimension_numbers<[1], [0], [0], [1], [0, 0, 1, 1], [], []>, transpose_lhs_hint = false} : vector<128x128xf32>, vector<128x128xf32>, vector<128x128xf32> -> vector<128x128xf32>
    %get3A_1554 = arith.constant 0 : index
    %get3A_1555 = arith.constant 11008 : index
    %get3A_1556 = vector.load %arg3[%get3A_1554, %get3A_1555] : memref<1x12800xf32, #tpu.memory_space<vmem>>, vector<1x128xf32>
    %add3A_1557 = vector.broadcast %get3A_1556 : vector<1x128xf32> to vector<128x128xf32>
    %add3A_1558 = arith.addf %dot_general3A_1553, %add3A_1557 : vector<128x128xf32>
    %swap3A_1559 = arith.constant 0 : index
    %swap3A_1560 = arith.constant 11008 : index
    %swap3A_1561 = vector.load %arg4[%swap3A_1559, %swap3A_1560] : memref<128x12800xf32, #tpu.memory_space<vmem>>, vector<128x128xf32>
    tpu.vector_store %arg4[%swap3A_1559, %swap3A_1560], %add3A_1558 {strides = array<i32>} : memref<128x12800xf32, #tpu.memory_space<vmem>>, vector<128x128xf32>,
    %get3A_1562 = arith.constant 0 : index
    %get3A_1563 = arith.constant 11136 : index
    %get3A_1564 = vector.load %arg1[%get3A_1562, %get3A_1563] : memref<128x12800xf32, #tpu.memory_space<vmem>>, vector<128x128xf32>
    %get3A_1565 = arith.constant 87 : index
    %get3A_1566 = arith.constant 0 : index
    %get3A_1567 = arith.constant 0 : index
    %get3A_1568 = vector.load %arg2[%get3A_1565, %get3A_1566, %get3A_1567] : memref<100x128x128xf32, #tpu.memory_space<vmem>>, vector<1x128x128xf32>
    %get3A_1569 = vector.shape_cast %get3A_1568 : vector<1x128x128xf32> to vector<128x128xf32>
    %dot_general3A_1570 = arith.constant dense<0.000000e+00> : vector<128x128xf32>
    %dot_general3A_1571 = tpu.matmul %get3A_1564, %get3A_1569, %dot_general3A_1570 {dimension_numbers = #tpu.dot_dimension_numbers<[1], [0], [0], [1], [0, 0, 1, 1], [], []>, transpose_lhs_hint = false} : vector<128x128xf32>, vector<128x128xf32>, vector<128x128xf32> -> vector<128x128xf32>
    %get3A_1572 = arith.constant 0 : index
    %get3A_1573 = arith.constant 11136 : index
    %get3A_1574 = vector.load %arg3[%get3A_1572, %get3A_1573] : memref<1x12800xf32, #tpu.memory_space<vmem>>, vector<1x128xf32>
    %add3A_1575 = vector.broadcast %get3A_1574 : vector<1x128xf32> to vector<128x128xf32>
    %add3A_1576 = arith.addf %dot_general3A_1571, %add3A_1575 : vector<128x128xf32>
    %swap3A_1577 = arith.constant 0 : index
    %swap3A_1578 = arith.constant 11136 : index
    %swap3A_1579 = vector.load %arg4[%swap3A_1577, %swap3A_1578] : memref<128x12800xf32, #tpu.memory_space<vmem>>, vector<128x128xf32>
    tpu.vector_store %arg4[%swap3A_1577, %swap3A_1578], %add3A_1576 {strides = array<i32>} : memref<128x12800xf32, #tpu.memory_space<vmem>>, vector<128x128xf32>,
    %get3A_1580 = arith.constant 0 : index
    %get3A_1581 = arith.constant 11264 : index
    %get3A_1582 = vector.load %arg1[%get3A_1580, %get3A_1581] : memref<128x12800xf32, #tpu.memory_space<vmem>>, vector<128x128xf32>
    %get3A_1583 = arith.constant 88 : index
    %get3A_1584 = arith.constant 0 : index
    %get3A_1585 = arith.constant 0 : index
    %get3A_1586 = vector.load %arg2[%get3A_1583, %get3A_1584, %get3A_1585] : memref<100x128x128xf32, #tpu.memory_space<vmem>>, vector<1x128x128xf32>
    %get3A_1587 = vector.shape_cast %get3A_1586 : vector<1x128x128xf32> to vector<128x128xf32>
    %dot_general3A_1588 = arith.constant dense<0.000000e+00> : vector<128x128xf32>
    %dot_general3A_1589 = tpu.matmul %get3A_1582, %get3A_1587, %dot_general3A_1588 {dimension_numbers = #tpu.dot_dimension_numbers<[1], [0], [0], [1], [0, 0, 1, 1], [], []>, transpose_lhs_hint = false} : vector<128x128xf32>, vector<128x128xf32>, vector<128x128xf32> -> vector<128x128xf32>
    %get3A_1590 = arith.constant 0 : index
    %get3A_1591 = arith.constant 11264 : index
    %get3A_1592 = vector.load %arg3[%get3A_1590, %get3A_1591] : memref<1x12800xf32, #tpu.memory_space<vmem>>, vector<1x128xf32>
    %add3A_1593 = vector.broadcast %get3A_1592 : vector<1x128xf32> to vector<128x128xf32>
    %add3A_1594 = arith.addf %dot_general3A_1589, %add3A_1593 : vector<128x128xf32>
    %swap3A_1595 = arith.constant 0 : index
    %swap3A_1596 = arith.constant 11264 : index
    %swap3A_1597 = vector.load %arg4[%swap3A_1595, %swap3A_1596] : memref<128x12800xf32, #tpu.memory_space<vmem>>, vector<128x128xf32>
    tpu.vector_store %arg4[%swap3A_1595, %swap3A_1596], %add3A_1594 {strides = array<i32>} : memref<128x12800xf32, #tpu.memory_space<vmem>>, vector<128x128xf32>,
    %get3A_1598 = arith.constant 0 : index
    %get3A_1599 = arith.constant 11392 : index
    %get3A_1600 = vector.load %arg1[%get3A_1598, %get3A_1599] : memref<128x12800xf32, #tpu.memory_space<vmem>>, vector<128x128xf32>
    %get3A_1601 = arith.constant 89 : index
    %get3A_1602 = arith.constant 0 : index
    %get3A_1603 = arith.constant 0 : index
    %get3A_1604 = vector.load %arg2[%get3A_1601, %get3A_1602, %get3A_1603] : memref<100x128x128xf32, #tpu.memory_space<vmem>>, vector<1x128x128xf32>
    %get3A_1605 = vector.shape_cast %get3A_1604 : vector<1x128x128xf32> to vector<128x128xf32>
    %dot_general3A_1606 = arith.constant dense<0.000000e+00> : vector<128x128xf32>
    %dot_general3A_1607 = tpu.matmul %get3A_1600, %get3A_1605, %dot_general3A_1606 {dimension_numbers = #tpu.dot_dimension_numbers<[1], [0], [0], [1], [0, 0, 1, 1], [], []>, transpose_lhs_hint = false} : vector<128x128xf32>, vector<128x128xf32>, vector<128x128xf32> -> vector<128x128xf32>
    %get3A_1608 = arith.constant 0 : index
    %get3A_1609 = arith.constant 11392 : index
    %get3A_1610 = vector.load %arg3[%get3A_1608, %get3A_1609] : memref<1x12800xf32, #tpu.memory_space<vmem>>, vector<1x128xf32>
    %add3A_1611 = vector.broadcast %get3A_1610 : vector<1x128xf32> to vector<128x128xf32>
    %add3A_1612 = arith.addf %dot_general3A_1607, %add3A_1611 : vector<128x128xf32>
    %swap3A_1613 = arith.constant 0 : index
    %swap3A_1614 = arith.constant 11392 : index
    %swap3A_1615 = vector.load %arg4[%swap3A_1613, %swap3A_1614] : memref<128x12800xf32, #tpu.memory_space<vmem>>, vector<128x128xf32>
    tpu.vector_store %arg4[%swap3A_1613, %swap3A_1614], %add3A_1612 {strides = array<i32>} : memref<128x12800xf32, #tpu.memory_space<vmem>>, vector<128x128xf32>,
    %get3A_1616 = arith.constant 0 : index
    %get3A_1617 = arith.constant 11520 : index
    %get3A_1618 = vector.load %arg1[%get3A_1616, %get3A_1617] : memref<128x12800xf32, #tpu.memory_space<vmem>>, vector<128x128xf32>
    %get3A_1619 = arith.constant 90 : index
    %get3A_1620 = arith.constant 0 : index
    %get3A_1621 = arith.constant 0 : index
    %get3A_1622 = vector.load %arg2[%get3A_1619, %get3A_1620, %get3A_1621] : memref<100x128x128xf32, #tpu.memory_space<vmem>>, vector<1x128x128xf32>
    %get3A_1623 = vector.shape_cast %get3A_1622 : vector<1x128x128xf32> to vector<128x128xf32>
    %dot_general3A_1624 = arith.constant dense<0.000000e+00> : vector<128x128xf32>
    %dot_general3A_1625 = tpu.matmul %get3A_1618, %get3A_1623, %dot_general3A_1624 {dimension_numbers = #tpu.dot_dimension_numbers<[1], [0], [0], [1], [0, 0, 1, 1], [], []>, transpose_lhs_hint = false} : vector<128x128xf32>, vector<128x128xf32>, vector<128x128xf32> -> vector<128x128xf32>
    %get3A_1626 = arith.constant 0 : index
    %get3A_1627 = arith.constant 11520 : index
    %get3A_1628 = vector.load %arg3[%get3A_1626, %get3A_1627] : memref<1x12800xf32, #tpu.memory_space<vmem>>, vector<1x128xf32>
    %add3A_1629 = vector.broadcast %get3A_1628 : vector<1x128xf32> to vector<128x128xf32>
    %add3A_1630 = arith.addf %dot_general3A_1625, %add3A_1629 : vector<128x128xf32>
    %swap3A_1631 = arith.constant 0 : index
    %swap3A_1632 = arith.constant 11520 : index
    %swap3A_1633 = vector.load %arg4[%swap3A_1631, %swap3A_1632] : memref<128x12800xf32, #tpu.memory_space<vmem>>, vector<128x128xf32>
    tpu.vector_store %arg4[%swap3A_1631, %swap3A_1632], %add3A_1630 {strides = array<i32>} : memref<128x12800xf32, #tpu.memory_space<vmem>>, vector<128x128xf32>,
    %get3A_1634 = arith.constant 0 : index
    %get3A_1635 = arith.constant 11648 : index
    %get3A_1636 = vector.load %arg1[%get3A_1634, %get3A_1635] : memref<128x12800xf32, #tpu.memory_space<vmem>>, vector<128x128xf32>
    %get3A_1637 = arith.constant 91 : index
    %get3A_1638 = arith.constant 0 : index
    %get3A_1639 = arith.constant 0 : index
    %get3A_1640 = vector.load %arg2[%get3A_1637, %get3A_1638, %get3A_1639] : memref<100x128x128xf32, #tpu.memory_space<vmem>>, vector<1x128x128xf32>
    %get3A_1641 = vector.shape_cast %get3A_1640 : vector<1x128x128xf32> to vector<128x128xf32>
    %dot_general3A_1642 = arith.constant dense<0.000000e+00> : vector<128x128xf32>
    %dot_general3A_1643 = tpu.matmul %get3A_1636, %get3A_1641, %dot_general3A_1642 {dimension_numbers = #tpu.dot_dimension_numbers<[1], [0], [0], [1], [0, 0, 1, 1], [], []>, transpose_lhs_hint = false} : vector<128x128xf32>, vector<128x128xf32>, vector<128x128xf32> -> vector<128x128xf32>
    %get3A_1644 = arith.constant 0 : index
    %get3A_1645 = arith.constant 11648 : index
    %get3A_1646 = vector.load %arg3[%get3A_1644, %get3A_1645] : memref<1x12800xf32, #tpu.memory_space<vmem>>, vector<1x128xf32>
    %add3A_1647 = vector.broadcast %get3A_1646 : vector<1x128xf32> to vector<128x128xf32>
    %add3A_1648 = arith.addf %dot_general3A_1643, %add3A_1647 : vector<128x128xf32>
    %swap3A_1649 = arith.constant 0 : index
    %swap3A_1650 = arith.constant 11648 : index
    %swap3A_1651 = vector.load %arg4[%swap3A_1649, %swap3A_1650] : memref<128x12800xf32, #tpu.memory_space<vmem>>, vector<128x128xf32>
    tpu.vector_store %arg4[%swap3A_1649, %swap3A_1650], %add3A_1648 {strides = array<i32>} : memref<128x12800xf32, #tpu.memory_space<vmem>>, vector<128x128xf32>,
    %get3A_1652 = arith.constant 0 : index
    %get3A_1653 = arith.constant 11776 : index
    %get3A_1654 = vector.load %arg1[%get3A_1652, %get3A_1653] : memref<128x12800xf32, #tpu.memory_space<vmem>>, vector<128x128xf32>
    %get3A_1655 = arith.constant 92 : index
    %get3A_1656 = arith.constant 0 : index
    %get3A_1657 = arith.constant 0 : index
    %get3A_1658 = vector.load %arg2[%get3A_1655, %get3A_1656, %get3A_1657] : memref<100x128x128xf32, #tpu.memory_space<vmem>>, vector<1x128x128xf32>
    %get3A_1659 = vector.shape_cast %get3A_1658 : vector<1x128x128xf32> to vector<128x128xf32>
    %dot_general3A_1660 = arith.constant dense<0.000000e+00> : vector<128x128xf32>
    %dot_general3A_1661 = tpu.matmul %get3A_1654, %get3A_1659, %dot_general3A_1660 {dimension_numbers = #tpu.dot_dimension_numbers<[1], [0], [0], [1], [0, 0, 1, 1], [], []>, transpose_lhs_hint = false} : vector<128x128xf32>, vector<128x128xf32>, vector<128x128xf32> -> vector<128x128xf32>
    %get3A_1662 = arith.constant 0 : index
    %get3A_1663 = arith.constant 11776 : index
    %get3A_1664 = vector.load %arg3[%get3A_1662, %get3A_1663] : memref<1x12800xf32, #tpu.memory_space<vmem>>, vector<1x128xf32>
    %add3A_1665 = vector.broadcast %get3A_1664 : vector<1x128xf32> to vector<128x128xf32>
    %add3A_1666 = arith.addf %dot_general3A_1661, %add3A_1665 : vector<128x128xf32>
    %swap3A_1667 = arith.constant 0 : index
    %swap3A_1668 = arith.constant 11776 : index
    %swap3A_1669 = vector.load %arg4[%swap3A_1667, %swap3A_1668] : memref<128x12800xf32, #tpu.memory_space<vmem>>, vector<128x128xf32>
    tpu.vector_store %arg4[%swap3A_1667, %swap3A_1668], %add3A_1666 {strides = array<i32>} : memref<128x12800xf32, #tpu.memory_space<vmem>>, vector<128x128xf32>,
    %get3A_1670 = arith.constant 0 : index
    %get3A_1671 = arith.constant 11904 : index
    %get3A_1672 = vector.load %arg1[%get3A_1670, %get3A_1671] : memref<128x12800xf32, #tpu.memory_space<vmem>>, vector<128x128xf32>
    %get3A_1673 = arith.constant 93 : index
    %get3A_1674 = arith.constant 0 : index
    %get3A_1675 = arith.constant 0 : index
    %get3A_1676 = vector.load %arg2[%get3A_1673, %get3A_1674, %get3A_1675] : memref<100x128x128xf32, #tpu.memory_space<vmem>>, vector<1x128x128xf32>
    %get3A_1677 = vector.shape_cast %get3A_1676 : vector<1x128x128xf32> to vector<128x128xf32>
    %dot_general3A_1678 = arith.constant dense<0.000000e+00> : vector<128x128xf32>
    %dot_general3A_1679 = tpu.matmul %get3A_1672, %get3A_1677, %dot_general3A_1678 {dimension_numbers = #tpu.dot_dimension_numbers<[1], [0], [0], [1], [0, 0, 1, 1], [], []>, transpose_lhs_hint = false} : vector<128x128xf32>, vector<128x128xf32>, vector<128x128xf32> -> vector<128x128xf32>
    %get3A_1680 = arith.constant 0 : index
    %get3A_1681 = arith.constant 11904 : index
    %get3A_1682 = vector.load %arg3[%get3A_1680, %get3A_1681] : memref<1x12800xf32, #tpu.memory_space<vmem>>, vector<1x128xf32>
    %add3A_1683 = vector.broadcast %get3A_1682 : vector<1x128xf32> to vector<128x128xf32>
    %add3A_1684 = arith.addf %dot_general3A_1679, %add3A_1683 : vector<128x128xf32>
    %swap3A_1685 = arith.constant 0 : index
    %swap3A_1686 = arith.constant 11904 : index
    %swap3A_1687 = vector.load %arg4[%swap3A_1685, %swap3A_1686] : memref<128x12800xf32, #tpu.memory_space<vmem>>, vector<128x128xf32>
    tpu.vector_store %arg4[%swap3A_1685, %swap3A_1686], %add3A_1684 {strides = array<i32>} : memref<128x12800xf32, #tpu.memory_space<vmem>>, vector<128x128xf32>,
    %get3A_1688 = arith.constant 0 : index
    %get3A_1689 = arith.constant 12032 : index
    %get3A_1690 = vector.load %arg1[%get3A_1688, %get3A_1689] : memref<128x12800xf32, #tpu.memory_space<vmem>>, vector<128x128xf32>
    %get3A_1691 = arith.constant 94 : index
    %get3A_1692 = arith.constant 0 : index
    %get3A_1693 = arith.constant 0 : index
    %get3A_1694 = vector.load %arg2[%get3A_1691, %get3A_1692, %get3A_1693] : memref<100x128x128xf32, #tpu.memory_space<vmem>>, vector<1x128x128xf32>
    %get3A_1695 = vector.shape_cast %get3A_1694 : vector<1x128x128xf32> to vector<128x128xf32>
    %dot_general3A_1696 = arith.constant dense<0.000000e+00> : vector<128x128xf32>
    %dot_general3A_1697 = tpu.matmul %get3A_1690, %get3A_1695, %dot_general3A_1696 {dimension_numbers = #tpu.dot_dimension_numbers<[1], [0], [0], [1], [0, 0, 1, 1], [], []>, transpose_lhs_hint = false} : vector<128x128xf32>, vector<128x128xf32>, vector<128x128xf32> -> vector<128x128xf32>
    %get3A_1698 = arith.constant 0 : index
    %get3A_1699 = arith.constant 12032 : index
    %get3A_1700 = vector.load %arg3[%get3A_1698, %get3A_1699] : memref<1x12800xf32, #tpu.memory_space<vmem>>, vector<1x128xf32>
    %add3A_1701 = vector.broadcast %get3A_1700 : vector<1x128xf32> to vector<128x128xf32>
    %add3A_1702 = arith.addf %dot_general3A_1697, %add3A_1701 : vector<128x128xf32>
    %swap3A_1703 = arith.constant 0 : index
    %swap3A_1704 = arith.constant 12032 : index
    %swap3A_1705 = vector.load %arg4[%swap3A_1703, %swap3A_1704] : memref<128x12800xf32, #tpu.memory_space<vmem>>, vector<128x128xf32>
    tpu.vector_store %arg4[%swap3A_1703, %swap3A_1704], %add3A_1702 {strides = array<i32>} : memref<128x12800xf32, #tpu.memory_space<vmem>>, vector<128x128xf32>,
    %get3A_1706 = arith.constant 0 : index
    %get3A_1707 = arith.constant 12160 : index
    %get3A_1708 = vector.load %arg1[%get3A_1706, %get3A_1707] : memref<128x12800xf32, #tpu.memory_space<vmem>>, vector<128x128xf32>
    %get3A_1709 = arith.constant 95 : index
    %get3A_1710 = arith.constant 0 : index
    %get3A_1711 = arith.constant 0 : index
    %get3A_1712 = vector.load %arg2[%get3A_1709, %get3A_1710, %get3A_1711] : memref<100x128x128xf32, #tpu.memory_space<vmem>>, vector<1x128x128xf32>
    %get3A_1713 = vector.shape_cast %get3A_1712 : vector<1x128x128xf32> to vector<128x128xf32>
    %dot_general3A_1714 = arith.constant dense<0.000000e+00> : vector<128x128xf32>
    %dot_general3A_1715 = tpu.matmul %get3A_1708, %get3A_1713, %dot_general3A_1714 {dimension_numbers = #tpu.dot_dimension_numbers<[1], [0], [0], [1], [0, 0, 1, 1], [], []>, transpose_lhs_hint = false} : vector<128x128xf32>, vector<128x128xf32>, vector<128x128xf32> -> vector<128x128xf32>
    %get3A_1716 = arith.constant 0 : index
    %get3A_1717 = arith.constant 12160 : index
    %get3A_1718 = vector.load %arg3[%get3A_1716, %get3A_1717] : memref<1x12800xf32, #tpu.memory_space<vmem>>, vector<1x128xf32>
    %add3A_1719 = vector.broadcast %get3A_1718 : vector<1x128xf32> to vector<128x128xf32>
    %add3A_1720 = arith.addf %dot_general3A_1715, %add3A_1719 : vector<128x128xf32>
    %swap3A_1721 = arith.constant 0 : index
    %swap3A_1722 = arith.constant 12160 : index
    %swap3A_1723 = vector.load %arg4[%swap3A_1721, %swap3A_1722] : memref<128x12800xf32, #tpu.memory_space<vmem>>, vector<128x128xf32>
    tpu.vector_store %arg4[%swap3A_1721, %swap3A_1722], %add3A_1720 {strides = array<i32>} : memref<128x12800xf32, #tpu.memory_space<vmem>>, vector<128x128xf32>,
    %get3A_1724 = arith.constant 0 : index
    %get3A_1725 = arith.constant 12288 : index
    %get3A_1726 = vector.load %arg1[%get3A_1724, %get3A_1725] : memref<128x12800xf32, #tpu.memory_space<vmem>>, vector<128x128xf32>
    %get3A_1727 = arith.constant 96 : index
    %get3A_1728 = arith.constant 0 : index
    %get3A_1729 = arith.constant 0 : index
    %get3A_1730 = vector.load %arg2[%get3A_1727, %get3A_1728, %get3A_1729] : memref<100x128x128xf32, #tpu.memory_space<vmem>>, vector<1x128x128xf32>
    %get3A_1731 = vector.shape_cast %get3A_1730 : vector<1x128x128xf32> to vector<128x128xf32>
    %dot_general3A_1732 = arith.constant dense<0.000000e+00> : vector<128x128xf32>
    %dot_general3A_1733 = tpu.matmul %get3A_1726, %get3A_1731, %dot_general3A_1732 {dimension_numbers = #tpu.dot_dimension_numbers<[1], [0], [0], [1], [0, 0, 1, 1], [], []>, transpose_lhs_hint = false} : vector<128x128xf32>, vector<128x128xf32>, vector<128x128xf32> -> vector<128x128xf32>
    %get3A_1734 = arith.constant 0 : index
    %get3A_1735 = arith.constant 12288 : index
    %get3A_1736 = vector.load %arg3[%get3A_1734, %get3A_1735] : memref<1x12800xf32, #tpu.memory_space<vmem>>, vector<1x128xf32>
    %add3A_1737 = vector.broadcast %get3A_1736 : vector<1x128xf32> to vector<128x128xf32>
    %add3A_1738 = arith.addf %dot_general3A_1733, %add3A_1737 : vector<128x128xf32>
    %swap3A_1739 = arith.constant 0 : index
    %swap3A_1740 = arith.constant 12288 : index
    %swap3A_1741 = vector.load %arg4[%swap3A_1739, %swap3A_1740] : memref<128x12800xf32, #tpu.memory_space<vmem>>, vector<128x128xf32>
    tpu.vector_store %arg4[%swap3A_1739, %swap3A_1740], %add3A_1738 {strides = array<i32>} : memref<128x12800xf32, #tpu.memory_space<vmem>>, vector<128x128xf32>,
    %get3A_1742 = arith.constant 0 : index
    %get3A_1743 = arith.constant 12416 : index
    %get3A_1744 = vector.load %arg1[%get3A_1742, %get3A_1743] : memref<128x12800xf32, #tpu.memory_space<vmem>>, vector<128x128xf32>
    %get3A_1745 = arith.constant 97 : index
    %get3A_1746 = arith.constant 0 : index
    %get3A_1747 = arith.constant 0 : index
    %get3A_1748 = vector.load %arg2[%get3A_1745, %get3A_1746, %get3A_1747] : memref<100x128x128xf32, #tpu.memory_space<vmem>>, vector<1x128x128xf32>
    %get3A_1749 = vector.shape_cast %get3A_1748 : vector<1x128x128xf32> to vector<128x128xf32>
    %dot_general3A_1750 = arith.constant dense<0.000000e+00> : vector<128x128xf32>
    %dot_general3A_1751 = tpu.matmul %get3A_1744, %get3A_1749, %dot_general3A_1750 {dimension_numbers = #tpu.dot_dimension_numbers<[1], [0], [0], [1], [0, 0, 1, 1], [], []>, transpose_lhs_hint = false} : vector<128x128xf32>, vector<128x128xf32>, vector<128x128xf32> -> vector<128x128xf32>
    %get3A_1752 = arith.constant 0 : index
    %get3A_1753 = arith.constant 12416 : index
    %get3A_1754 = vector.load %arg3[%get3A_1752, %get3A_1753] : memref<1x12800xf32, #tpu.memory_space<vmem>>, vector<1x128xf32>
    %add3A_1755 = vector.broadcast %get3A_1754 : vector<1x128xf32> to vector<128x128xf32>
    %add3A_1756 = arith.addf %dot_general3A_1751, %add3A_1755 : vector<128x128xf32>
    %swap3A_1757 = arith.constant 0 : index
    %swap3A_1758 = arith.constant 12416 : index
    %swap3A_1759 = vector.load %arg4[%swap3A_1757, %swap3A_1758] : memref<128x12800xf32, #tpu.memory_space<vmem>>, vector<128x128xf32>
    tpu.vector_store %arg4[%swap3A_1757, %swap3A_1758], %add3A_1756 {strides = array<i32>} : memref<128x12800xf32, #tpu.memory_space<vmem>>, vector<128x128xf32>,
    %get3A_1760 = arith.constant 0 : index
    %get3A_1761 = arith.constant 12544 : index
    %get3A_1762 = vector.load %arg1[%get3A_1760, %get3A_1761] : memref<128x12800xf32, #tpu.memory_space<vmem>>, vector<128x128xf32>
    %get3A_1763 = arith.constant 98 : index
    %get3A_1764 = arith.constant 0 : index
    %get3A_1765 = arith.constant 0 : index
    %get3A_1766 = vector.load %arg2[%get3A_1763, %get3A_1764, %get3A_1765] : memref<100x128x128xf32, #tpu.memory_space<vmem>>, vector<1x128x128xf32>
    %get3A_1767 = vector.shape_cast %get3A_1766 : vector<1x128x128xf32> to vector<128x128xf32>
    %dot_general3A_1768 = arith.constant dense<0.000000e+00> : vector<128x128xf32>
    %dot_general3A_1769 = tpu.matmul %get3A_1762, %get3A_1767, %dot_general3A_1768 {dimension_numbers = #tpu.dot_dimension_numbers<[1], [0], [0], [1], [0, 0, 1, 1], [], []>, transpose_lhs_hint = false} : vector<128x128xf32>, vector<128x128xf32>, vector<128x128xf32> -> vector<128x128xf32>
    %get3A_1770 = arith.constant 0 : index
    %get3A_1771 = arith.constant 12544 : index
    %get3A_1772 = vector.load %arg3[%get3A_1770, %get3A_1771] : memref<1x12800xf32, #tpu.memory_space<vmem>>, vector<1x128xf32>
    %add3A_1773 = vector.broadcast %get3A_1772 : vector<1x128xf32> to vector<128x128xf32>
    %add3A_1774 = arith.addf %dot_general3A_1769, %add3A_1773 : vector<128x128xf32>
    %swap3A_1775 = arith.constant 0 : index
    %swap3A_1776 = arith.constant 12544 : index
    %swap3A_1777 = vector.load %arg4[%swap3A_1775, %swap3A_1776] : memref<128x12800xf32, #tpu.memory_space<vmem>>, vector<128x128xf32>
    tpu.vector_store %arg4[%swap3A_1775, %swap3A_1776], %add3A_1774 {strides = array<i32>} : memref<128x12800xf32, #tpu.memory_space<vmem>>, vector<128x128xf32>,
    %get3A_1778 = arith.constant 0 : index
    %get3A_1779 = arith.constant 12672 : index
    %get3A_1780 = vector.load %arg1[%get3A_1778, %get3A_1779] : memref<128x12800xf32, #tpu.memory_space<vmem>>, vector<128x128xf32>
    %get3A_1781 = arith.constant 99 : index
    %get3A_1782 = arith.constant 0 : index
    %get3A_1783 = arith.constant 0 : index
    %get3A_1784 = vector.load %arg2[%get3A_1781, %get3A_1782, %get3A_1783] : memref<100x128x128xf32, #tpu.memory_space<vmem>>, vector<1x128x128xf32>
    %get3A_1785 = vector.shape_cast %get3A_1784 : vector<1x128x128xf32> to vector<128x128xf32>
    %dot_general3A_1786 = arith.constant dense<0.000000e+00> : vector<128x128xf32>
    %dot_general3A_1787 = tpu.matmul %get3A_1780, %get3A_1785, %dot_general3A_1786 {dimension_numbers = #tpu.dot_dimension_numbers<[1], [0], [0], [1], [0, 0, 1, 1], [], []>, transpose_lhs_hint = false} : vector<128x128xf32>, vector<128x128xf32>, vector<128x128xf32> -> vector<128x128xf32>
    %get3A_1788 = arith.constant 0 : index
    %get3A_1789 = arith.constant 12672 : index
    %get3A_1790 = vector.load %arg3[%get3A_1788, %get3A_1789] : memref<1x12800xf32, #tpu.memory_space<vmem>>, vector<1x128xf32>
    %add3A_1791 = vector.broadcast %get3A_1790 : vector<1x128xf32> to vector<128x128xf32>
    %add3A_1792 = arith.addf %dot_general3A_1787, %add3A_1791 : vector<128x128xf32>
    %swap3A_1793 = arith.constant 0 : index
    %swap3A_1794 = arith.constant 12672 : index
    %swap3A_1795 = vector.load %arg4[%swap3A_1793, %swap3A_1794] : memref<128x12800xf32, #tpu.memory_space<vmem>>, vector<128x128xf32>
    tpu.vector_store %arg4[%swap3A_1793, %swap3A_1794], %add3A_1792 {strides = array<i32>} : memref<128x12800xf32, #tpu.memory_space<vmem>>, vector<128x128xf32>,
    return
  }
  func.func @transform_0(%arg0: i32) -> (i32, i32) {
    %c0_i32 = arith.constant 0 : i32
    %c0_i32_0 = arith.constant 0 : i32
    return %arg0, %c0_i32 : i32, i32
  }
  func.func @transform_1(%arg0: i32) -> (i32, i32, i32) {
    %c0_i32 = arith.constant 0 : i32
    %c0_i32_0 = arith.constant 0 : i32
    %c0_i32_1 = arith.constant 0 : i32
    %c0_i32_2 = arith.constant 0 : i32
    return %c0_i32, %c0_i32_0, %c0_i32_1 : i32, i32, i32
  }
  func.func @transform_2(%arg0: i32) -> (i32, i32) {
    %c0_i32 = arith.constant 0 : i32
    %c0_i32_0 = arith.constant 0 : i32
    %c0_i32_1 = arith.constant 0 : i32
    return %c0_i32, %c0_i32_0 : i32, i32
  }
  func.func @transform_3(%arg0: i32) -> (i32, i32) {
    %c0_i32 = arith.constant 0 : i32
    %c0_i32_0 = arith.constant 0 : i32
    return %arg0, %c0_i32 : i32, i32
  }
}

</mosaic_0001>

<sc_bundles>
// kernel: sparse-core-data-format-call.cloned.1.call-start
scs
called_computation_lowered:
.L_overlay_start_0:
0x0: {  	s2 =	sld [smem:$0x3FD9]  }
0x1: {  	s3 =	sld [smem:$0x3FFE];
	_ =	sdelay $0x1  }
0x2: {  	s1 =	srdreg.scid  }
0x3: {  	s0 =	sand.u32 $0x1, s1  }
0x4: {  	s18 =	sshll.u32 s0, $0xA;
	s2 =	sadd.s32 s3, s2  }
0x5: {  	s2 =	sadd.s32 s2, s18  }
0x6: {  	[smem:$0x3FC4] =	sst s2  }
0x7: {  	_ = 	snop  }
0x8: {  	s2 =	sld [smem:$0x3FD0];
	(tm) =	ssettm $0x1  }
0x9: {  	s19 =	sld [smem:$0x3FFB];
	_ =	sdelay $0x3  }
0xa: {  	_ =	strace s19  }
0xb: {  	s3 =	sld [smem:$0x3FFC];
	_ =	sdelay $0x3  }
0xc: {  	_ =	strace s3  }
0xd: {  	s3 =	sld [smem:$0x3FFD];
	_ =	sdelay $0x3  }
0xe: {  	_ =	strace s3  }
0xf: {  	_ =	strace $0x8FFFFFFF  }
0x10: {  	s20 =	sld [smem:$0x3FDB];
	_ =	sdelay $0x1  }
0x11: {  	s4 =	simm.s32 $_scs_section_size  }
0x12: {  	s5 =	simm.s32 $_size__tile_overlayer_lowered;
	s6 =	simm.s32 $_tile_overlayer_lowered  }
0x13: {  	s23 =	simm.s32 $0x1BFF;
	s22 =	sshll.u32 s6, $0x1;
	s3 =	sadd.s32 s4, s20  }
0x14: {  	s7 =	simm.s32 $0x0;
	s21 =	sshll.u32 s5, $0x1;
	s5 =	sadd.s32 s22, s3  }
0x15: {  	[timem:s7], [sflag:s23] =	dma.local [hbm:s5], s21  }
0x16: {  	_ =	swait.ge [sflag:s23], s21  }
0x17: {  	s4 =	ssub.s32 $0x0, s21;
	[sflag:s23] =	ssyncset.done $0x0  }
0x18: {  	[sflag:s23] =	ssyncadd.s32 s4;
	_ =	sdelay $0x1  }
0x19: {  	s24 =	simm.s32 $0x1B8B  }
0x1a: {  	_ =	swait.ge [sflag:s24], $0x1  }
0x1b: {  	[sflag:s24] =	ssyncset.done $0x0  }
0x1c: {  	s26 =	simm.s32 $0x1B8E;
	s25 =	sld [smem:$0x3FFE];
	[sflag:s24] =	ssyncadd.s32 $0xFFFFFFFF  }
0x1d: {  	s27 =	simm.s32 $execute0_lowered;
	[smem:$0x3FD2] =	sst s26  }
0x1e: {  	s5 =	sshll.u32 s27, $0x1;
	_ =	strace $0x80000046;
	[dreg:$0x1] =	wrdreg $0xFFFFFFFF  }
0x1f: {  	s28 =	simm.s32 $_size_execute0_lowered;
	s3 =	sadd.s32 s3, s5;
	[dreg:$0x0] =	wrdreg $0x0  }
0x20: {  	s5 =	sshll.u32 s28, $0x1;
	[dreg:$0x2] =	wrdreg s3  }
0x21: {  	[dreg:$0x3] =	wrdreg s5  }
0x22: {  	[dreg:$0x4] =	wrdreg $0xC0  }
0x23: {  	_ =	task [dreg:s7], $0x5FFFF  }
0x24: {  	[dreg:$0x1] =	wrdreg $0xFFFFFFFF  }
0x25: {  	[dreg:$0x0] =	wrdreg $0x60  }
0x26: {  	[dreg:$0x2] =	wrdreg s25  }
0x27: {  	[dreg:$0x3] =	wrdreg s2  }
0x28: {  	[dreg:$0x4] =	wrdreg $0x9  }
0x29: {  	_ =	task.clear_ibuf [dreg:s7], $0x5FFFF;
	_ =	strace $0x90000046  }
0x2a: {  	s29 =	simm.s32 $0x9;
	_ =	strace $0x80000048  }
0x2b: {  	_ =	swait.ge [sflag:s29], $0x1  }
0x2c: {  	[sflag:s29] =	ssyncadd.s32 $0xFFFFFFFF  }
0x2d: {  	_ =	strace $0x90000048  }
0x2e: {  	_ =	sfence  }
0x2f: {  	s30 =	sld [smem:$0x0];
	_ =	sdelay $0x2  }
0x30: {  	s31 =	sshll.u32 s1, $0xD;
	s1 =	sshrl.u32 s1, $0x2  }
0x31: {  	s3 =	sand.u32 $0x4000, s31;
	s1 =	sadd.s32 s1, s30  }
0x32: {  	s0 =	sor.u32 s3, s0;
	s1 =	sshll.u32 s1, $0x11  }
0x33: {  	s0 =	sor.u32 s1, s0  }
0x34: {  	s0 =	sadd.s32 $0x8F2B, s0  }
0x35: {  	[sflag:s0] =	ssyncadd.remote.s32 $0x1  }
0x36: {  	_ =	sfence.sel $0xFFFF  }
0x37: {  	[dreg:$0x0] =	wrdreg $0xFFFFFFFF;
	(pc) =	sbr.abs _section_cstart, $3  }
0x38: {  	[dreg:$0x1] =	wrdreg $0xFFFFFFFF  }
0x39: {  	_ =	task.clear_ibuf [dreg:s7], $0x2FFFF;
	_ =	strace $0x9FFFFFFF  }
0x3a: {  	(tm) =	ssettm $0x7FFFFFFF  }
0x3b: {  	_ =	shalt  }
tec
execute0_lowered:
.L_overlay_start_1:
0x0: {  	(tag) =	ssettag $0x1  }
0x1: {  	s0 =	srdreg.scid  }
0x2: {  	s1 =	sshll.u32 s0, $0x4  }
0x3: {  	s0 =	stileid.u32;
	s1 =	sand.u32 $0x10, s1  }
0x4: {  	s1 =	sor.u32 s0, s1  }
0x5: {  	s6 =	rddreg [dreg:$0x0];
	s4 =	simm.s32 $0x1;
	s2 =	sshll.u32 s1, $0x7  }
0x6: {  	s7 =	simm.s32 $0x2;
	s8 =	simm.s32 $0x0;
	s1 =	ssub.s32 $0x1000, s2  }
0x7: {  	s12 =	simm.s32 $0x0;
	s11 =	simm.s32 $0x0;
	s3 =	sand.u32 $0xF80, s1  }
0x8: {  	s9 =	simm.s32 $0x0;
	s5 =	sshrl.u32 s1, $0xC;
	p0 =	sne.s32 s3, $0x0  }
.Ltmp0:
0x9: {  	s1 =	rddreg [dreg:$0x2];
	s4 =	simm.s32 @!p0 $0x0;
	(pc) =	sbr.rel .LBB1_1-.Ltmp0, $4  }
0xa: {  	s6 =	sadd.s32 s2, s6;
	s3 =	rddreg [dreg:$0x1];
	s5 =	sadd.s32 s4, s5  }
0xb: {  	_ =	strace $0x80000047;
	s4 =	simm.s32 $0x1;
	s5 =	smul.u32 $0x64, s5  }
0xc: {  	s10 =	simm.s32 $0x0;
	s6 =	sadd.s32 $0xC00, s6;
	[sflag:s4] =	ssyncpa.u1 $0x0  }
0xd: {  	p0 =	por $0x0, $0x0;
	[sflag:s7] =	ssyncpa.u1 $0x0;
	s7 =	sor.u32 $0x1, s5  }
.LBB1_4:
0xe: {  	v5 =	vld [tilespmem:s16+$0xFFFFFFD0];
	[tilespmem:s15+$0x2040 ss:$0x81] =	vst.msk $0xffff, v1  }
0xf: {  	v58 =	vld [tilespmem:s16+$0xFFFFFFE0];
	[tilespmem:s15+$0x2850 ss:$0x81] =	vst.msk $0xffff, v2  }
0x10: {  	s17 =	sshra.s32 s17, $0x2;
	v59 =	vld [tilespmem:s16+$0xFFFFFFF0];
	[tilespmem:s15+$0x3060 ss:$0x81] =	vst.msk $0xffff, v3  }
0x11: {  	v60 =	vld [tilespmem:s16+$0x0];
	[tilespmem:s15+$0x0 ss:$0x81] =	vst.msk $0xffff, v0;
	s14 =	sadd.s32 s17, s14  }
0x12: {  	v61 =	vld [tilespmem:s16+$0x10];
	[tilespmem:s14+$0x3870 ss:$0x81] =	vst.msk $0xffff, v4  }
0x13: {  	v62 =	vld [tilespmem:s16+$0x20];
	[tilespmem:s14+$0x810 ss:$0x81] =	vst.msk $0xffff, v5  }
0x14: {  	v63 =	vld [tilespmem:s16+$0xFFFFFFC0];
	[tilespmem:s14+$0x1020 ss:$0x81] =	vst.msk $0xffff, v58  }
0x15: {  	[tilespmem:s14+$0x1830 ss:$0x81] =	vst.msk $0xffff, v59  }
0x16: {  	[tilespmem:s14+$0x2040 ss:$0x81] =	vst.msk $0xffff, v60  }
0x17: {  	s12 =	sshll.u32 s12, $0x4;
	s11 =	sshll.u32 s11, $0x10;
	[tilespmem:s14+$0x2850 ss:$0x81] =	vst.msk $0xffff, v61  }
0x18: {  	s12 =	sand.u32 $0xF800, s12;
	s11 =	sadd.s32 s3, s11;
	[tilespmem:s14+$0x3060 ss:$0x81] =	vst.msk $0xffff, v62  }
0x19: {  	s11 =	sadd.s32 s12, s11;
	[tilespmem:s14+$0x0 ss:$0x81] =	vst.msk $0xffff, v63  }
0x1a: {  	[hbm4b:s11+s8] =	stream.linear.scatter [tilespmem:s13], [sflag:$0x2], $0x4000, $0x20;
	[tilespmem:$0x10100] =	vst v63  }
.LBB1_5:
0x1b: {  	s13 =	sadd.s32 $0x1, s9  }
0x1c: {  	p2 =	sgt.s32 s13, $0x63  }
0x1d: {  	s13 =	simm.s32 @p2 $0x0;
	p2 =	sne.s32 s10, s7  }
.Ltmp1:
0x1e: {  	p1 =	slt.u32 s10, $0x2;
	(pc) =	sbr.rel @!p2 .LBB1_6-.Ltmp1, $4  }
0x1f: {  	s12 =	simm.s32 @!p1 $0x2  }
0x20: {  	s14 =	sadd.s32 $0x1, s10;
	s11 =	smov.u32 s9;
	_ =	swait.ge @!p1 [sflag:s12], $0x4000  }
0x21: {  	p0 =	por !p0, !p0;
	s10 =	smov.u32 s14;
	[sflag:s12] =	ssyncset.done @!p1 $0x0  }
0x22: {  	s9 =	smov.u32 s13;
	[sflag:s12] =	ssyncadd.s32 @!p1 $0xFFFFC000;
	s12 =	smov.u32 s2  }
.LBB1_1:
0x23: {  	p1 =	sge.u32 s10, s5  }
0x24: {  	s31 =	sadd.s32 $0xFFFFFFFF, s10;
	s13 =	sxor.u32 @!p1 $0xFFFFFFFF, s10  }
0x25: {  	s14 =	sshll.u32 @!p1 s9, $0x10;
	s15 =	simm.s32 @!p1 $0x400;
	s13 =	sshll.u32 @!p1 s13, $0xE  }
0x26: {  	s16 =	simm.s32 @!p1 $0x8000;
	s14 =	sadd.s32 @!p1 s14, s6;
	s13 =	sand.u32 @!p1 $0x4000, s13  }
0x27: {  	[tilespmem:s13], [sflag:$0x1] =	stream.strided.gather @!p1 [hbm4b:s14+s15], $0x4000, s16, s15, $0x38;
	[tilespmem:$0x10100] =	vst v63  }
0x28: {  	p1 =	sge.u32 s31, s5  }
.Ltmp2:
0x29: {  	_ = 	snop;
	(pc) =	sbr.rel @p1 .LBB1_5-.Ltmp2, $1  }
0x2a: {  	_ =	sdelay $0x3  }
0x2b: {  	s13 =	simm.s32 $0x1  }
0x2c: {  	_ =	swait.ge [sflag:s4], $0x4000;
	s13 =	simm.s32 @!p0 $0x0  }
0x2d: {  	[sflag:s4] =	ssyncset.done $0x0;
	s14 =	sshll.u32 s13, $0xE  }
0x2e: {  	[sflag:s4] =	ssyncadd.s32 $0xFFFFC000;
	s16 =	sor.u32 $0x40, s14  }
0x2f: {  	s13 =	smul.u32 $0x10200, s13;
	v0 =	vld [tilespmem:s16+$0x30]  }
0x30: {  	v3 =	vld [tilespmem:s16+$0xFFFFFFD0]  }
0x31: {  	s13 =	sshrl.u32 s13, $0x2;
	v4 =	vld [tilespmem:s16+$0xFFFFFFE0]  }
0x32: {  	v5 =	vld [tilespmem:s16+$0xFFFFFFF0];
	s14 =	sor.u32 $0x8000, s13  }
0x33: {  	s31 =	sand.u32 $0x1, s10;
	v1 =	vld [tilespmem:s16+$0x0];
	s15 =	sadd.s32 $0x0, s14  }
0x34: {  	v2 =	vld [tilespmem:s16+$0x10];
	s13 =	smul.u32 $0x10200, s31;
	[tilespmem:s15+$0x3870 ss:$0x81] =	vst.msk $0xffff, v0  }
0x35: {  	[tilespmem:s15+$0x810 ss:$0x81] =	vst.msk $0xffff, v3;
	v3 =	vld [tilespmem:s16+$0x20]  }
0x36: {  	s13 =	sshrl.u32 s13, $0x2;
	v0 =	vld [tilespmem:s16+$0xFFFFFFC0];
	[tilespmem:s15+$0x1020 ss:$0x81] =	vst.msk $0xffff, v4;
	s16 =	sadd.s32 $0x80, s16  }
0x37: {  	s17 =	simm.s32 $0x4;
	s18 =	simm.s32 $0x8;
	s13 =	sor.u32 $0x8000, s13;
	[tilespmem:s15+$0x1830 ss:$0x81] =	vst.msk $0xffff, v5;
	v4 =	vld [tilespmem:s16+$0x30]  }
.LBB1_3:
0x38: {  	p1 =	sne.s32 s18, $0x1FC;
	v5 =	vld [tilespmem:s16+$0xFFFFFFD0];
	[tilespmem:s15+$0x2040 ss:$0x81] =	vst.msk $0xffff, v1  }
0x39: {  	v6 =	vld [tilespmem:s16+$0xFFFFFFE0];
	[tilespmem:s15+$0x2850 ss:$0x81] =	vst.msk $0xffff, v2  }
0x3a: {  	s19 =	sshra.s32 s17, $0x2;
	s17 =	smov.u32 s18;
	v7 =	vld [tilespmem:s16+$0xFFFFFFF0];
	[tilespmem:s15+$0x3060 ss:$0x81] =	vst.msk $0xffff, v3  }
.Ltmp3:
0x3b: {  	v1 =	vld [tilespmem:s16+$0x0];
	[tilespmem:s15+$0x0 ss:$0x81] =	vst.msk $0xffff, v0;
	s15 =	sadd.s32 s19, s14;
	(pc) =	sbr.rel @p1 .LBB1_3-.Ltmp3, $4  }
0x3c: {  	v2 =	vld [tilespmem:s16+$0x10];
	[tilespmem:s15+$0x3870 ss:$0x81] =	vst.msk $0xffff, v4  }
0x3d: {  	[tilespmem:s15+$0x810 ss:$0x81] =	vst.msk $0xffff, v5;
	v3 =	vld [tilespmem:s16+$0x20]  }
0x3e: {  	v0 =	vld [tilespmem:s16+$0xFFFFFFC0];
	[tilespmem:s15+$0x1020 ss:$0x81] =	vst.msk $0xffff, v6;
	s16 =	sadd.s32 $0x80, s16  }
0x3f: {  	s18 =	sadd.s32 $0x4, s18;
	v4 =	vld [tilespmem:s16+$0x30];
	[tilespmem:s15+$0x1830 ss:$0x81] =	vst.msk $0xffff, v7  }
.Ltmp4:
0x40: {  	_ = 	snop;
	(pc) =	sbr.rel .LBB1_4-.Ltmp4, $1  }
0x41: {  	_ =	sdelay $0x3  }
.LBB1_6:
0x42: {  	_ =	sfence.sel $0x180000  }
0x43: {  	s2 =	simm.s32 $0x1;
	[bflag:$0x0] =	sbarrier.arrive $0xFFFF  }
0x44: {  	s31 =	simm.s32 $0x2;
	[sflag:s2] =	ssyncpa.u1 $0x1  }
0x45: {  	[sflag:s31] =	ssyncpa.u1 $0x1  }
0x46: {  	p0 =	sne.s32 s0, $0x0;
	_ =	strace $0x90000047  }
0x47: {  	s0 =	sadd.s32 @!p0 $0x100000, s1;
	[bflag:$0x2] =	sbarrier.arrive $0xFFFF  }
0x48: {  	[sflag:s0] =	ssyncadd.tile.s32 @!p0 $0x1;
	_ =	shalt  }
.Lfunc_end1:
_tile_overlayer_lowered:
.L_overlay_start_2:
0x49: {  	(tag) =	ssettag $0x2  }
0x4a: {  	s0 =	rddreg [dreg:$0x0];
	s2 =	stileid.u32  }
0x4b: {  	s1 =	rddreg [dreg:$0x1];
	p0 =	sne.s32 s2, $0x0  }
0x4c: {  	s3 =	rddreg [dreg:$0x2];
	[bflag:$0x3] =	sbarrier.arrive $0xFFFF;
	s2 =	simm.s32 @!p0 $0x1C01  }
0x4d: {  	[timem:s3], [sflag:s2] =	dma.local @!p0 [hbm:s0], s1  }
0x4e: {  	s0 =	simm.s32 @!p0 $0x1  }
0x4f: {  	_ =	swait.ge @!p0 [sflag:s0], s1  }
0x50: {  	s1 =	ssub.s32 @!p0 $0x0, s1;
	[sflag:s0] =	ssyncset.done @!p0 $0x0  }
0x51: {  	[sflag:s0] =	ssyncadd.s32 @!p0 s1  }
0x52: {  	[bflag:$0x3] =	sbarrier.arrive $0xFFFF  }
0x53: {  	_ =	shalt  }

</sc_bundles>
